<compile_context>
chip_gen: v7x
topology: tpu7x:2x2x1
jax: 0.10.2.dev20260603
libtpu: 0.0.44.dev20260713+nightly
codegen_flags: <defaults>
</compile_context>

<pallas_src>
import functools

import jax
import jax.numpy as jnp
from jax import lax
from jax.experimental import pallas as pl
from jax.experimental.pallas import tpu as pltpu
from jax.experimental.pallas import tpu_sc as plsc

MAX_CTX = 32768
DIM = 2048

_HALF_ROWS = MAX_CTX // 2
_WORKERS = 32
_PER_W = MAX_CTX // _WORKERS

_T_CH = 16
_T_NCH = _PER_W // _T_CH
_S_CH = 32
_S_NCH = _PER_W // _S_CH

_mesh = plsc.VectorSubcoreMesh(core_axis_name="c", subcore_axis_name="s")


@functools.partial(
    pl.kernel,
    out_type=jax.ShapeDtypeStruct((MAX_CTX, DIM), jnp.float32),
    mesh=_mesh,
    scratch_types=[
        pltpu.VMEM((2, _T_CH, DIM), jnp.float32),
        pltpu.VMEM_SHARED((8, 2, _S_CH, DIM), jnp.float32),
        pltpu.SemaphoreType.DMA((2,)),
        pltpu.SemaphoreType.DMA((2,)),
    ],
)
def _sc_copy(mem_hbm, h_hbm, out_hbm, tbuf, sbuf, rsem, wsem):
    cid = lax.axis_index("c")
    sid = lax.axis_index("s")
    wid = cid * 16 + sid
    base = wid * _PER_W

    def stripe(src_ref, src_base, bufsl, ch, nch):
        def read(c, slot):
            return pltpu.make_async_copy(
                src_ref.at[pl.ds(src_base + c * ch, ch), :],
                bufsl.at[slot], rsem.at[slot])

        def write(c, slot):
            return pltpu.make_async_copy(
                bufsl.at[slot],
                out_hbm.at[pl.ds(base + c * ch, ch), :], wsem.at[slot])

        read(0, 0).start()

        def step(c, _):
            slot = lax.rem(c, 2)
            nslot = lax.rem(c + 1, 2)
            read(c, slot).wait()

            @pl.when(c >= 1)
            def _():
                write(c - 1, nslot).wait()

            @pl.when(c + 1 < nch)
            def _():
                read(c + 1, nslot).start()

            write(c, slot).start()
            return 0

        lax.fori_loop(0, nch, step, 0)
        write(nch - 1, (nch - 1) % 2).wait()

    def both_paths(src_ref, src_base):
        @pl.when(sid < 8)
        def _():
            stripe(src_ref, src_base, tbuf, _T_CH, _T_NCH)

        @pl.when(sid >= 8)
        def _():
            stripe(src_ref, src_base, sbuf.at[sid - 8], _S_CH, _S_NCH)

    @pl.when(wid < _WORKERS // 2)
    def _():
        both_paths(mem_hbm, base + _HALF_ROWS)

    @pl.when(wid >= _WORKERS // 2)
    def _():
        both_paths(h_hbm, base - _HALF_ROWS)


def kernel(h, mem):
    B, L, D = h.shape
    flat = h.reshape(B * L, D)
    new_mem = _sc_copy(mem, flat)
    return h, new_mem

# --- scband reference (transcript-rebuilt; emitter-appended) ---
"""Pipeline reference for scband-replay-memory-stack-30365418782760 (READ-ONLY COPY).

The authoritative reference and input builder live on the scoring server;
editing this copy changes nothing except your own understanding.
"""

import jax, jax.numpy as jnp
import numpy as np

MAX_CTX = 32768
DIM = 2048


def setup_inputs(seed: int = 0) -> dict:
    key = jax.random.key(seed)
    k1, k2 = jax.random.split(key)
    h = jax.random.normal(k1, (4, 4096, DIM), dtype=jnp.float32)
    mem = jax.random.normal(k2, (MAX_CTX, DIM), dtype=jnp.float32)
    return {"h": h, "mem": mem}


def reference(h, mem):
    # Faithful translation of ReplayMemoryStack.forward.
    # torch: flat = h.reshape(B*L, D).detach(); mem = cat([mem, flat])[-max_ctx:]; return h
    # We functionally thread the buffer `mem` as an input and return the updated
    # buffer alongside h (the torch side-effect made explicit).
    B, L, D = h.shape
    flat = jax.lax.stop_gradient(h.reshape(B * L, D))  # .detach()
    cat = jnp.concatenate([mem, flat], axis=0)
    new_mem = jax.lax.dynamic_slice_in_dim(cat, cat.shape[0] - MAX_CTX, MAX_CTX, axis=0)
    return h, new_mem

if __name__ == "__main__":
    import jax
    _d = setup_inputs()
    print(jax.jit(kernel)(*tuple(_d.values())))

</pallas_src>

<mosaic_0001>
#map = affine_map<(d0, d1) -> (0, 0)>
module attributes {stable_mosaic.version = 14 : i64} {
  func.func @_sc_copy(%arg0: i32, %arg1: i32, %arg2: memref<32768x2048xf32, #tpu.memory_space<hbm>>, %arg3: memref<16384x2048xf32, #tpu.memory_space<hbm>>, %arg4: memref<32768x2048xf32, #tpu.memory_space<hbm>>, %arg5: memref<2x16x2048xf32, #tpu.memory_space<vmem>>, %arg6: memref<8x2x32x2048xf32, #tpu.memory_space<vmem_shared>>, %arg7: memref<2x!tpu.dma_semaphore, #tpu.memory_space<semaphore_mem>>, %arg8: memref<2x!tpu.dma_semaphore, #tpu.memory_space<semaphore_mem>>) attributes {dimension_semantics = [#tpu.dimension_semantics<core_parallel>, #tpu.dimension_semantics<subcore_parallel>], iteration_bounds = array<i64: 2, 16>, scalar_prefetch = 0 : i64, scratch_operands = 4 : i64, tpu.core_type = #tpu.core_type<sc_vector_subcore>, window_params = [{transform_indices = #map}, {transform_indices = #map}, {transform_indices = #map}]} {
    %mul3A = arith.constant 16 : i32
    %mul3A_0 = arith.muli %arg0, %mul3A : i32
    %add3A = arith.addi %mul3A_0, %arg1 : i32
    %mul3A_1 = arith.constant 1024 : i32
    %mul3A_2 = arith.muli %add3A, %mul3A_1 : i32
    %lt3A = arith.constant 16 : i32
    %lt3A_3 = arith.cmpi slt, %add3A, %lt3A : i32
    %convert_element_type3A = arith.extui %lt3A_3 : i1 to i32
    %cond3A = arith.constant 0 : i32
    %cond3A_4 = arith.cmpi ne, %convert_element_type3A, %cond3A : i32
    scf.if %cond3A_4 {
      %add3A_9 = arith.constant 16384 : i32
      %add3A_10 = arith.addi %mul3A_2, %add3A_9 : i32
      %lt3A_11 = arith.constant 8 : i32
      %lt3A_12 = arith.cmpi slt, %arg1, %lt3A_11 : i32
      %convert_element_type3A_13 = arith.extui %lt3A_12 : i1 to i32
      %cond3A_14 = arith.constant 0 : i32
      %cond3A_15 = arith.cmpi ne, %convert_element_type3A_13, %cond3A_14 : i32
      scf.if %cond3A_15 {
        %add3A_21 = arith.constant 0 : i32
        %add3A_22 = arith.addi %add3A_10, %add3A_21 : i32
        %dma_start3A = arith.constant 0 : i32
        %dma_start3A_23 = arith.constant 0 : i32
        %dma_start3A_24 = arith.constant 0 : i32
        %dma_start3A_25 = arith.constant 0 : i32
        %dma_start3A_26 = tpu.memref_slice %arg5[%dma_start3A, %dma_start3A_24, %dma_start3A_25] : memref<2x16x2048xf32, #tpu.memory_space<vmem>> -> memref<1x16x2048xf32, #tpu.memory_space<vmem>>
        %dma_start3A_27 = tpu.memref_squeeze %dma_start3A_26 : memref<1x16x2048xf32, #tpu.memory_space<vmem>> -> memref<16x2048xf32, #tpu.memory_space<vmem>>
        %dma_start3A_28 = arith.constant 0 : i32
        %dma_start3A_29 = tpu.memref_slice %arg2[%add3A_22, %dma_start3A_28] : memref<32768x2048xf32, #tpu.memory_space<hbm>> -> memref<16x2048xf32, #tpu.memory_space<hbm>>
        %dma_start3A_30 = tpu.memref_slice %arg7[%dma_start3A_23] : memref<2x!tpu.dma_semaphore, #tpu.memory_space<semaphore_mem>> -> memref<1x!tpu.dma_semaphore, #tpu.memory_space<semaphore_mem>>
        %dma_start3A_31 = tpu.memref_squeeze %dma_start3A_30 : memref<1x!tpu.dma_semaphore, #tpu.memory_space<semaphore_mem>> -> memref<!tpu.dma_semaphore, #tpu.memory_space<semaphore_mem>>
        %dma_start3A_32 = arith.constant 0 : i32
        %dma_start3A_33 = arith.constant 0 : i32
        %dma_start3A_34 = tpu.memref_slice %arg5[%dma_start3A, %dma_start3A_32, %dma_start3A_33] : memref<2x16x2048xf32, #tpu.memory_space<vmem>> -> memref<1x16x2048xf32, #tpu.memory_space<vmem>>
        %dma_start3A_35 = tpu.memref_squeeze %dma_start3A_34 : memref<1x16x2048xf32, #tpu.memory_space<vmem>> -> memref<16x2048xf32, #tpu.memory_space<vmem>>
        %dma_start3A_36 = arith.constant 0 : i32
        %dma_start3A_37 = tpu.memref_slice %arg2[%add3A_22, %dma_start3A_36] : memref<32768x2048xf32, #tpu.memory_space<hbm>> -> memref<16x2048xf32, #tpu.memory_space<hbm>>
        tpu.enqueue_dma source(%dma_start3A_37 : memref<16x2048xf32, #tpu.memory_space<hbm>>) target(%dma_start3A_35 : memref<16x2048xf32, #tpu.memory_space<vmem>>) target_semaphore(%dma_start3A_31 : memref<!tpu.dma_semaphore, #tpu.memory_space<semaphore_mem>>)
        %scan3A = arith.constant 0 : i32
        %scan3A_38 = arith.constant 0 : i32
        %scan3A_39 = arith.constant 64 : i32
        %scan3A_40 = arith.addi %scan3A_38, %scan3A_39 : i32
        %scan3A_41 = arith.constant 1 : i32
        %scan3A_42 = scf.for %scan3A_61 = %scan3A_38 to %scan3A_40 step %scan3A_41 iter_args(%scan3A_62 = %scan3A) -> (i32)  : i32 {
          %rem3A = arith.constant 2 : i32
          %rem3A_63 = arith.remsi %scan3A_61, %rem3A : i32
          %add3A_64 = arith.constant 1 : i32
          %add3A_65 = arith.addi %scan3A_61, %add3A_64 : i32
          %rem3A_66 = arith.constant 2 : i32
          %rem3A_67 = arith.remsi %add3A_65, %rem3A_66 : i32
          %mul3A_68 = arith.constant 16 : i32
          %mul3A_69 = arith.muli %scan3A_61, %mul3A_68 : i32
          %add3A_70 = arith.addi %add3A_10, %mul3A_69 : i32
          %dma_wait3A_71 = arith.constant 0 : i32
          %dma_wait3A_72 = arith.constant 0 : i32
          %dma_wait3A_73 = tpu.memref_slice %arg5[%rem3A_63, %dma_wait3A_71, %dma_wait3A_72] : memref<2x16x2048xf32, #tpu.memory_space<vmem>> -> memref<1x16x2048xf32, #tpu.memory_space<vmem>>
          %dma_wait3A_74 = tpu.memref_squeeze %dma_wait3A_73 : memref<1x16x2048xf32, #tpu.memory_space<vmem>> -> memref<16x2048xf32, #tpu.memory_space<vmem>>
          %dma_wait3A_75 = arith.constant 0 : i32
          %dma_wait3A_76 = tpu.memref_slice %arg2[%add3A_70, %dma_wait3A_75] : memref<32768x2048xf32, #tpu.memory_space<hbm>> -> memref<16x2048xf32, #tpu.memory_space<hbm>>
          %dma_wait3A_77 = tpu.memref_slice %arg7[%rem3A_63] : memref<2x!tpu.dma_semaphore, #tpu.memory_space<semaphore_mem>> -> memref<1x!tpu.dma_semaphore, #tpu.memory_space<semaphore_mem>>
          %dma_wait3A_78 = tpu.memref_squeeze %dma_wait3A_77 : memref<1x!tpu.dma_semaphore, #tpu.memory_space<semaphore_mem>> -> memref<!tpu.dma_semaphore, #tpu.memory_space<semaphore_mem>>
          %dma_wait3A_79 = arith.constant 0 : i32
          %dma_wait3A_80 = arith.constant 0 : i32
          %dma_wait3A_81 = tpu.memref_slice %arg5[%rem3A_63, %dma_wait3A_79, %dma_wait3A_80] : memref<2x16x2048xf32, #tpu.memory_space<vmem>> -> memref<1x16x2048xf32, #tpu.memory_space<vmem>>
          %dma_wait3A_82 = tpu.memref_squeeze %dma_wait3A_81 : memref<1x16x2048xf32, #tpu.memory_space<vmem>> -> memref<16x2048xf32, #tpu.memory_space<vmem>>
          %dma_wait3A_83 = arith.constant 0 : i32
          %dma_wait3A_84 = tpu.memref_slice %arg2[%add3A_70, %dma_wait3A_83] : memref<32768x2048xf32, #tpu.memory_space<hbm>> -> memref<16x2048xf32, #tpu.memory_space<hbm>>
          tpu.wait_dma2 semaphore(%dma_wait3A_78 : memref<!tpu.dma_semaphore, #tpu.memory_space<semaphore_mem>>) src(%dma_wait3A_84 : memref<16x2048xf32, #tpu.memory_space<hbm>>) dst(%dma_wait3A_82 : memref<16x2048xf32, #tpu.memory_space<vmem>>)
          %ge3A_85 = arith.constant 1 : i32
          %ge3A_86 = arith.cmpi sge, %scan3A_61, %ge3A_85 : i32
          %convert_element_type3A_87 = arith.extui %ge3A_86 : i1 to i32
          %cond3A_88 = arith.constant 0 : i32
          %cond3A_89 = arith.cmpi ne, %convert_element_type3A_87, %cond3A_88 : i32
          scf.if %cond3A_89 {
            %sub3A = arith.constant 1 : i32
            %sub3A_115 = arith.subi %scan3A_61, %sub3A : i32
            %mul3A_116 = arith.constant 16 : i32
            %mul3A_117 = arith.muli %sub3A_115, %mul3A_116 : i32
            %add3A_118 = arith.addi %mul3A_2, %mul3A_117 : i32
            %dma_wait3A_119 = arith.constant 0 : i32
            %dma_wait3A_120 = arith.constant 0 : i32
            %dma_wait3A_121 = tpu.memref_slice %arg5[%rem3A_67, %dma_wait3A_119, %dma_wait3A_120] : memref<2x16x2048xf32, #tpu.memory_space<vmem>> -> memref<1x16x2048xf32, #tpu.memory_space<vmem>>
            %dma_wait3A_122 = tpu.memref_squeeze %dma_wait3A_121 : memref<1x16x2048xf32, #tpu.memory_space<vmem>> -> memref<16x2048xf32, #tpu.memory_space<vmem>>
            %dma_wait3A_123 = arith.constant 0 : i32
            %dma_wait3A_124 = tpu.memref_slice %arg4[%add3A_118, %dma_wait3A_123] : memref<32768x2048xf32, #tpu.memory_space<hbm>> -> memref<16x2048xf32, #tpu.memory_space<hbm>>
            %dma_wait3A_125 = tpu.memref_slice %arg8[%rem3A_67] : memref<2x!tpu.dma_semaphore, #tpu.memory_space<semaphore_mem>> -> memref<1x!tpu.dma_semaphore, #tpu.memory_space<semaphore_mem>>
            %dma_wait3A_126 = tpu.memref_squeeze %dma_wait3A_125 : memref<1x!tpu.dma_semaphore, #tpu.memory_space<semaphore_mem>> -> memref<!tpu.dma_semaphore, #tpu.memory_space<semaphore_mem>>
            %dma_wait3A_127 = arith.constant 0 : i32
            %dma_wait3A_128 = tpu.memref_slice %arg4[%add3A_118, %dma_wait3A_127] : memref<32768x2048xf32, #tpu.memory_space<hbm>> -> memref<16x2048xf32, #tpu.memory_space<hbm>>
            %dma_wait3A_129 = arith.constant 0 : i32
            %dma_wait3A_130 = arith.constant 0 : i32
            %dma_wait3A_131 = tpu.memref_slice %arg5[%rem3A_67, %dma_wait3A_129, %dma_wait3A_130] : memref<2x16x2048xf32, #tpu.memory_space<vmem>> -> memref<1x16x2048xf32, #tpu.memory_space<vmem>>
            %dma_wait3A_132 = tpu.memref_squeeze %dma_wait3A_131 : memref<1x16x2048xf32, #tpu.memory_space<vmem>> -> memref<16x2048xf32, #tpu.memory_space<vmem>>
            tpu.wait_dma2 semaphore(%dma_wait3A_126 : memref<!tpu.dma_semaphore, #tpu.memory_space<semaphore_mem>>) src(%dma_wait3A_132 : memref<16x2048xf32, #tpu.memory_space<vmem>>) dst(%dma_wait3A_128 : memref<16x2048xf32, #tpu.memory_space<hbm>>)
          } else {
          }
          %add3A_90 = arith.constant 1 : i32
          %add3A_91 = arith.addi %scan3A_61, %add3A_90 : i32
          %lt3A_92 = arith.constant 64 : i32
          %lt3A_93 = arith.cmpi slt, %add3A_91, %lt3A_92 : i32
          %convert_element_type3A_94 = arith.extui %lt3A_93 : i1 to i32
          %cond3A_95 = arith.constant 0 : i32
          %cond3A_96 = arith.cmpi ne, %convert_element_type3A_94, %cond3A_95 : i32
          scf.if %cond3A_96 {
            %add3A_115 = arith.constant 1 : i32
            %add3A_116 = arith.addi %scan3A_61, %add3A_115 : i32
            %mul3A_117 = arith.constant 16 : i32
            %mul3A_118 = arith.muli %add3A_116, %mul3A_117 : i32
            %add3A_119 = arith.addi %add3A_10, %mul3A_118 : i32
            %dma_start3A_120 = arith.constant 0 : i32
            %dma_start3A_121 = arith.constant 0 : i32
            %dma_start3A_122 = tpu.memref_slice %arg5[%rem3A_67, %dma_start3A_120, %dma_start3A_121] : memref<2x16x2048xf32, #tpu.memory_space<vmem>> -> memref<1x16x2048xf32, #tpu.memory_space<vmem>>
            %dma_start3A_123 = tpu.memref_squeeze %dma_start3A_122 : memref<1x16x2048xf32, #tpu.memory_space<vmem>> -> memref<16x2048xf32, #tpu.memory_space<vmem>>
            %dma_start3A_124 = arith.constant 0 : i32
            %dma_start3A_125 = tpu.memref_slice %arg2[%add3A_119, %dma_start3A_124] : memref<32768x2048xf32, #tpu.memory_space<hbm>> -> memref<16x2048xf32, #tpu.memory_space<hbm>>
            %dma_start3A_126 = tpu.memref_slice %arg7[%rem3A_67] : memref<2x!tpu.dma_semaphore, #tpu.memory_space<semaphore_mem>> -> memref<1x!tpu.dma_semaphore, #tpu.memory_space<semaphore_mem>>
            %dma_start3A_127 = tpu.memref_squeeze %dma_start3A_126 : memref<1x!tpu.dma_semaphore, #tpu.memory_space<semaphore_mem>> -> memref<!tpu.dma_semaphore, #tpu.memory_space<semaphore_mem>>
            %dma_start3A_128 = arith.constant 0 : i32
            %dma_start3A_129 = arith.constant 0 : i32
            %dma_start3A_130 = tpu.memref_slice %arg5[%rem3A_67, %dma_start3A_128, %dma_start3A_129] : memref<2x16x2048xf32, #tpu.memory_space<vmem>> -> memref<1x16x2048xf32, #tpu.memory_space<vmem>>
            %dma_start3A_131 = tpu.memref_squeeze %dma_start3A_130 : memref<1x16x2048xf32, #tpu.memory_space<vmem>> -> memref<16x2048xf32, #tpu.memory_space<vmem>>
            %dma_start3A_132 = arith.constant 0 : i32
            %dma_start3A_133 = tpu.memref_slice %arg2[%add3A_119, %dma_start3A_132] : memref<32768x2048xf32, #tpu.memory_space<hbm>> -> memref<16x2048xf32, #tpu.memory_space<hbm>>
            tpu.enqueue_dma source(%dma_start3A_133 : memref<16x2048xf32, #tpu.memory_space<hbm>>) target(%dma_start3A_131 : memref<16x2048xf32, #tpu.memory_space<vmem>>) target_semaphore(%dma_start3A_127 : memref<!tpu.dma_semaphore, #tpu.memory_space<semaphore_mem>>)
          } else {
          }
          %mul3A_97 = arith.constant 16 : i32
          %mul3A_98 = arith.muli %scan3A_61, %mul3A_97 : i32
          %add3A_99 = arith.addi %mul3A_2, %mul3A_98 : i32
          %dma_start3A_100 = arith.constant 0 : i32
          %dma_start3A_101 = arith.constant 0 : i32
          %dma_start3A_102 = tpu.memref_slice %arg5[%rem3A_63, %dma_start3A_100, %dma_start3A_101] : memref<2x16x2048xf32, #tpu.memory_space<vmem>> -> memref<1x16x2048xf32, #tpu.memory_space<vmem>>
          %dma_start3A_103 = tpu.memref_squeeze %dma_start3A_102 : memref<1x16x2048xf32, #tpu.memory_space<vmem>> -> memref<16x2048xf32, #tpu.memory_space<vmem>>
          %dma_start3A_104 = arith.constant 0 : i32
          %dma_start3A_105 = tpu.memref_slice %arg4[%add3A_99, %dma_start3A_104] : memref<32768x2048xf32, #tpu.memory_space<hbm>> -> memref<16x2048xf32, #tpu.memory_space<hbm>>
          %dma_start3A_106 = tpu.memref_slice %arg8[%rem3A_63] : memref<2x!tpu.dma_semaphore, #tpu.memory_space<semaphore_mem>> -> memref<1x!tpu.dma_semaphore, #tpu.memory_space<semaphore_mem>>
          %dma_start3A_107 = tpu.memref_squeeze %dma_start3A_106 : memref<1x!tpu.dma_semaphore, #tpu.memory_space<semaphore_mem>> -> memref<!tpu.dma_semaphore, #tpu.memory_space<semaphore_mem>>
          %dma_start3A_108 = arith.constant 0 : i32
          %dma_start3A_109 = tpu.memref_slice %arg4[%add3A_99, %dma_start3A_108] : memref<32768x2048xf32, #tpu.memory_space<hbm>> -> memref<16x2048xf32, #tpu.memory_space<hbm>>
          %dma_start3A_110 = arith.constant 0 : i32
          %dma_start3A_111 = arith.constant 0 : i32
          %dma_start3A_112 = tpu.memref_slice %arg5[%rem3A_63, %dma_start3A_110, %dma_start3A_111] : memref<2x16x2048xf32, #tpu.memory_space<vmem>> -> memref<1x16x2048xf32, #tpu.memory_space<vmem>>
          %dma_start3A_113 = tpu.memref_squeeze %dma_start3A_112 : memref<1x16x2048xf32, #tpu.memory_space<vmem>> -> memref<16x2048xf32, #tpu.memory_space<vmem>>
          tpu.enqueue_dma source(%dma_start3A_113 : memref<16x2048xf32, #tpu.memory_space<vmem>>) target(%dma_start3A_109 : memref<16x2048xf32, #tpu.memory_space<hbm>>) target_semaphore(%dma_start3A_107 : memref<!tpu.dma_semaphore, #tpu.memory_space<semaphore_mem>>)
          %scan3A_114 = arith.constant 0 : i32
          scf.yield %scan3A_114 : i32
        }
        %scan3A_43 = arith.constant 64 : i32
        %add3A_44 = arith.constant 1008 : i32
        %add3A_45 = arith.addi %mul3A_2, %add3A_44 : i32
        %dma_wait3A = arith.constant 1 : i32
        %dma_wait3A_46 = arith.constant 1 : i32
        %dma_wait3A_47 = arith.constant 0 : i32
        %dma_wait3A_48 = arith.constant 0 : i32
        %dma_wait3A_49 = tpu.memref_slice %arg5[%dma_wait3A, %dma_wait3A_47, %dma_wait3A_48] : memref<2x16x2048xf32, #tpu.memory_space<vmem>> -> memref<1x16x2048xf32, #tpu.memory_space<vmem>>
        %dma_wait3A_50 = tpu.memref_squeeze %dma_wait3A_49 : memref<1x16x2048xf32, #tpu.memory_space<vmem>> -> memref<16x2048xf32, #tpu.memory_space<vmem>>
        %dma_wait3A_51 = arith.constant 0 : i32
        %dma_wait3A_52 = tpu.memref_slice %arg4[%add3A_45, %dma_wait3A_51] : memref<32768x2048xf32, #tpu.memory_space<hbm>> -> memref<16x2048xf32, #tpu.memory_space<hbm>>
        %dma_wait3A_53 = tpu.memref_slice %arg8[%dma_wait3A_46] : memref<2x!tpu.dma_semaphore, #tpu.memory_space<semaphore_mem>> -> memref<1x!tpu.dma_semaphore, #tpu.memory_space<semaphore_mem>>
        %dma_wait3A_54 = tpu.memref_squeeze %dma_wait3A_53 : memref<1x!tpu.dma_semaphore, #tpu.memory_space<semaphore_mem>> -> memref<!tpu.dma_semaphore, #tpu.memory_space<semaphore_mem>>
        %dma_wait3A_55 = arith.constant 0 : i32
        %dma_wait3A_56 = tpu.memref_slice %arg4[%add3A_45, %dma_wait3A_55] : memref<32768x2048xf32, #tpu.memory_space<hbm>> -> memref<16x2048xf32, #tpu.memory_space<hbm>>
        %dma_wait3A_57 = arith.constant 0 : i32
        %dma_wait3A_58 = arith.constant 0 : i32
        %dma_wait3A_59 = tpu.memref_slice %arg5[%dma_wait3A, %dma_wait3A_57, %dma_wait3A_58] : memref<2x16x2048xf32, #tpu.memory_space<vmem>> -> memref<1x16x2048xf32, #tpu.memory_space<vmem>>
        %dma_wait3A_60 = tpu.memref_squeeze %dma_wait3A_59 : memref<1x16x2048xf32, #tpu.memory_space<vmem>> -> memref<16x2048xf32, #tpu.memory_space<vmem>>
        tpu.wait_dma2 semaphore(%dma_wait3A_54 : memref<!tpu.dma_semaphore, #tpu.memory_space<semaphore_mem>>) src(%dma_wait3A_60 : memref<16x2048xf32, #tpu.memory_space<vmem>>) dst(%dma_wait3A_56 : memref<16x2048xf32, #tpu.memory_space<hbm>>)
      } else {
      }
      %ge3A_16 = arith.constant 8 : i32
      %ge3A_17 = arith.cmpi sge, %arg1, %ge3A_16 : i32
      %convert_element_type3A_18 = arith.extui %ge3A_17 : i1 to i32
      %cond3A_19 = arith.constant 0 : i32
      %cond3A_20 = arith.cmpi ne, %convert_element_type3A_18, %cond3A_19 : i32
      scf.if %cond3A_20 {
        %sub3A = arith.constant 8 : i32
        %sub3A_21 = arith.subi %arg1, %sub3A : i32
        %add3A_22 = arith.constant 0 : i32
        %add3A_23 = arith.addi %add3A_10, %add3A_22 : i32
        %dma_start3A = arith.constant 0 : i32
        %dma_start3A_24 = arith.constant 0 : i32
        %dma_start3A_25 = tpu.memref_slice %arg7[%dma_start3A_24] : memref<2x!tpu.dma_semaphore, #tpu.memory_space<semaphore_mem>> -> memref<1x!tpu.dma_semaphore, #tpu.memory_space<semaphore_mem>>
        %dma_start3A_26 = tpu.memref_squeeze %dma_start3A_25 : memref<1x!tpu.dma_semaphore, #tpu.memory_space<semaphore_mem>> -> memref<!tpu.dma_semaphore, #tpu.memory_space<semaphore_mem>>
        %dma_start3A_27 = arith.constant 0 : i32
        %dma_start3A_28 = arith.constant 0 : i32
        %dma_start3A_29 = arith.constant 0 : i32
        %dma_start3A_30 = tpu.memref_slice %arg6[%sub3A_21, %dma_start3A_27, %dma_start3A_28, %dma_start3A_29] : memref<8x2x32x2048xf32, #tpu.memory_space<vmem_shared>> -> memref<1x2x32x2048xf32, #tpu.memory_space<vmem_shared>>
        %dma_start3A_31 = tpu.memref_squeeze %dma_start3A_30 : memref<1x2x32x2048xf32, #tpu.memory_space<vmem_shared>> -> memref<2x32x2048xf32, #tpu.memory_space<vmem_shared>>
        %dma_start3A_32 = arith.constant 0 : i32
        %dma_start3A_33 = arith.constant 0 : i32
        %dma_start3A_34 = tpu.memref_slice %dma_start3A_31[%dma_start3A, %dma_start3A_32, %dma_start3A_33] : memref<2x32x2048xf32, #tpu.memory_space<vmem_shared>> -> memref<1x32x2048xf32, #tpu.memory_space<vmem_shared>>
        %dma_start3A_35 = tpu.memref_squeeze %dma_start3A_34 : memref<1x32x2048xf32, #tpu.memory_space<vmem_shared>> -> memref<32x2048xf32, #tpu.memory_space<vmem_shared>>
        %dma_start3A_36 = arith.constant 0 : i32
        %dma_start3A_37 = tpu.memref_slice %arg2[%add3A_23, %dma_start3A_36] : memref<32768x2048xf32, #tpu.memory_space<hbm>> -> memref<32x2048xf32, #tpu.memory_space<hbm>>
        tpu.enqueue_dma source(%dma_start3A_37 : memref<32x2048xf32, #tpu.memory_space<hbm>>) target(%dma_start3A_35 : memref<32x2048xf32, #tpu.memory_space<vmem_shared>>) target_semaphore(%dma_start3A_26 : memref<!tpu.dma_semaphore, #tpu.memory_space<semaphore_mem>>)
        %scan3A = arith.constant 0 : i32
        %scan3A_38 = arith.constant 0 : i32
        %scan3A_39 = arith.constant 32 : i32
        %scan3A_40 = arith.addi %scan3A_38, %scan3A_39 : i32
        %scan3A_41 = arith.constant 1 : i32
        %scan3A_42 = scf.for %scan3A_60 = %scan3A_38 to %scan3A_40 step %scan3A_41 iter_args(%scan3A_61 = %scan3A) -> (i32)  : i32 {
          %rem3A = arith.constant 2 : i32
          %rem3A_62 = arith.remsi %scan3A_60, %rem3A : i32
          %add3A_63 = arith.constant 1 : i32
          %add3A_64 = arith.addi %scan3A_60, %add3A_63 : i32
          %rem3A_65 = arith.constant 2 : i32
          %rem3A_66 = arith.remsi %add3A_64, %rem3A_65 : i32
          %mul3A_67 = arith.constant 32 : i32
          %mul3A_68 = arith.muli %scan3A_60, %mul3A_67 : i32
          %add3A_69 = arith.addi %add3A_10, %mul3A_68 : i32
          %dma_wait3A_70 = tpu.memref_slice %arg7[%rem3A_62] : memref<2x!tpu.dma_semaphore, #tpu.memory_space<semaphore_mem>> -> memref<1x!tpu.dma_semaphore, #tpu.memory_space<semaphore_mem>>
          %dma_wait3A_71 = tpu.memref_squeeze %dma_wait3A_70 : memref<1x!tpu.dma_semaphore, #tpu.memory_space<semaphore_mem>> -> memref<!tpu.dma_semaphore, #tpu.memory_space<semaphore_mem>>
          %dma_wait3A_72 = arith.constant 0 : i32
          %dma_wait3A_73 = arith.constant 0 : i32
          %dma_wait3A_74 = arith.constant 0 : i32
          %dma_wait3A_75 = tpu.memref_slice %arg6[%sub3A_21, %dma_wait3A_72, %dma_wait3A_73, %dma_wait3A_74] : memref<8x2x32x2048xf32, #tpu.memory_space<vmem_shared>> -> memref<1x2x32x2048xf32, #tpu.memory_space<vmem_shared>>
          %dma_wait3A_76 = tpu.memref_squeeze %dma_wait3A_75 : memref<1x2x32x2048xf32, #tpu.memory_space<vmem_shared>> -> memref<2x32x2048xf32, #tpu.memory_space<vmem_shared>>
          %dma_wait3A_77 = arith.constant 0 : i32
          %dma_wait3A_78 = arith.constant 0 : i32
          %dma_wait3A_79 = tpu.memref_slice %dma_wait3A_76[%rem3A_62, %dma_wait3A_77, %dma_wait3A_78] : memref<2x32x2048xf32, #tpu.memory_space<vmem_shared>> -> memref<1x32x2048xf32, #tpu.memory_space<vmem_shared>>
          %dma_wait3A_80 = tpu.memref_squeeze %dma_wait3A_79 : memref<1x32x2048xf32, #tpu.memory_space<vmem_shared>> -> memref<32x2048xf32, #tpu.memory_space<vmem_shared>>
          %dma_wait3A_81 = arith.constant 0 : i32
          %dma_wait3A_82 = tpu.memref_slice %arg2[%add3A_69, %dma_wait3A_81] : memref<32768x2048xf32, #tpu.memory_space<hbm>> -> memref<32x2048xf32, #tpu.memory_space<hbm>>
          tpu.wait_dma2 semaphore(%dma_wait3A_71 : memref<!tpu.dma_semaphore, #tpu.memory_space<semaphore_mem>>) src(%dma_wait3A_82 : memref<32x2048xf32, #tpu.memory_space<hbm>>) dst(%dma_wait3A_80 : memref<32x2048xf32, #tpu.memory_space<vmem_shared>>)
          %ge3A_83 = arith.constant 1 : i32
          %ge3A_84 = arith.cmpi sge, %scan3A_60, %ge3A_83 : i32
          %convert_element_type3A_85 = arith.extui %ge3A_84 : i1 to i32
          %cond3A_86 = arith.constant 0 : i32
          %cond3A_87 = arith.cmpi ne, %convert_element_type3A_85, %cond3A_86 : i32
          scf.if %cond3A_87 {
            %sub3A_112 = arith.constant 1 : i32
            %sub3A_113 = arith.subi %scan3A_60, %sub3A_112 : i32
            %mul3A_114 = arith.constant 32 : i32
            %mul3A_115 = arith.muli %sub3A_113, %mul3A_114 : i32
            %add3A_116 = arith.addi %mul3A_2, %mul3A_115 : i32
            %dma_wait3A_117 = tpu.memref_slice %arg8[%rem3A_66] : memref<2x!tpu.dma_semaphore, #tpu.memory_space<semaphore_mem>> -> memref<1x!tpu.dma_semaphore, #tpu.memory_space<semaphore_mem>>
            %dma_wait3A_118 = tpu.memref_squeeze %dma_wait3A_117 : memref<1x!tpu.dma_semaphore, #tpu.memory_space<semaphore_mem>> -> memref<!tpu.dma_semaphore, #tpu.memory_space<semaphore_mem>>
            %dma_wait3A_119 = arith.constant 0 : i32
            %dma_wait3A_120 = tpu.memref_slice %arg4[%add3A_116, %dma_wait3A_119] : memref<32768x2048xf32, #tpu.memory_space<hbm>> -> memref<32x2048xf32, #tpu.memory_space<hbm>>
            %dma_wait3A_121 = arith.constant 0 : i32
            %dma_wait3A_122 = arith.constant 0 : i32
            %dma_wait3A_123 = arith.constant 0 : i32
            %dma_wait3A_124 = tpu.memref_slice %arg6[%sub3A_21, %dma_wait3A_121, %dma_wait3A_122, %dma_wait3A_123] : memref<8x2x32x2048xf32, #tpu.memory_space<vmem_shared>> -> memref<1x2x32x2048xf32, #tpu.memory_space<vmem_shared>>
            %dma_wait3A_125 = tpu.memref_squeeze %dma_wait3A_124 : memref<1x2x32x2048xf32, #tpu.memory_space<vmem_shared>> -> memref<2x32x2048xf32, #tpu.memory_space<vmem_shared>>
            %dma_wait3A_126 = arith.constant 0 : i32
            %dma_wait3A_127 = arith.constant 0 : i32
            %dma_wait3A_128 = tpu.memref_slice %dma_wait3A_125[%rem3A_66, %dma_wait3A_126, %dma_wait3A_127] : memref<2x32x2048xf32, #tpu.memory_space<vmem_shared>> -> memref<1x32x2048xf32, #tpu.memory_space<vmem_shared>>
            %dma_wait3A_129 = tpu.memref_squeeze %dma_wait3A_128 : memref<1x32x2048xf32, #tpu.memory_space<vmem_shared>> -> memref<32x2048xf32, #tpu.memory_space<vmem_shared>>
            tpu.wait_dma2 semaphore(%dma_wait3A_118 : memref<!tpu.dma_semaphore, #tpu.memory_space<semaphore_mem>>) src(%dma_wait3A_129 : memref<32x2048xf32, #tpu.memory_space<vmem_shared>>) dst(%dma_wait3A_120 : memref<32x2048xf32, #tpu.memory_space<hbm>>)
          } else {
          }
          %add3A_88 = arith.constant 1 : i32
          %add3A_89 = arith.addi %scan3A_60, %add3A_88 : i32
          %lt3A_90 = arith.constant 32 : i32
          %lt3A_91 = arith.cmpi slt, %add3A_89, %lt3A_90 : i32
          %convert_element_type3A_92 = arith.extui %lt3A_91 : i1 to i32
          %cond3A_93 = arith.constant 0 : i32
          %cond3A_94 = arith.cmpi ne, %convert_element_type3A_92, %cond3A_93 : i32
          scf.if %cond3A_94 {
            %add3A_112 = arith.constant 1 : i32
            %add3A_113 = arith.addi %scan3A_60, %add3A_112 : i32
            %mul3A_114 = arith.constant 32 : i32
            %mul3A_115 = arith.muli %add3A_113, %mul3A_114 : i32
            %add3A_116 = arith.addi %add3A_10, %mul3A_115 : i32
            %dma_start3A_117 = tpu.memref_slice %arg7[%rem3A_66] : memref<2x!tpu.dma_semaphore, #tpu.memory_space<semaphore_mem>> -> memref<1x!tpu.dma_semaphore, #tpu.memory_space<semaphore_mem>>
            %dma_start3A_118 = tpu.memref_squeeze %dma_start3A_117 : memref<1x!tpu.dma_semaphore, #tpu.memory_space<semaphore_mem>> -> memref<!tpu.dma_semaphore, #tpu.memory_space<semaphore_mem>>
            %dma_start3A_119 = arith.constant 0 : i32
            %dma_start3A_120 = arith.constant 0 : i32
            %dma_start3A_121 = arith.constant 0 : i32
            %dma_start3A_122 = tpu.memref_slice %arg6[%sub3A_21, %dma_start3A_119, %dma_start3A_120, %dma_start3A_121] : memref<8x2x32x2048xf32, #tpu.memory_space<vmem_shared>> -> memref<1x2x32x2048xf32, #tpu.memory_space<vmem_shared>>
            %dma_start3A_123 = tpu.memref_squeeze %dma_start3A_122 : memref<1x2x32x2048xf32, #tpu.memory_space<vmem_shared>> -> memref<2x32x2048xf32, #tpu.memory_space<vmem_shared>>
            %dma_start3A_124 = arith.constant 0 : i32
            %dma_start3A_125 = arith.constant 0 : i32
            %dma_start3A_126 = tpu.memref_slice %dma_start3A_123[%rem3A_66, %dma_start3A_124, %dma_start3A_125] : memref<2x32x2048xf32, #tpu.memory_space<vmem_shared>> -> memref<1x32x2048xf32, #tpu.memory_space<vmem_shared>>
            %dma_start3A_127 = tpu.memref_squeeze %dma_start3A_126 : memref<1x32x2048xf32, #tpu.memory_space<vmem_shared>> -> memref<32x2048xf32, #tpu.memory_space<vmem_shared>>
            %dma_start3A_128 = arith.constant 0 : i32
            %dma_start3A_129 = tpu.memref_slice %arg2[%add3A_116, %dma_start3A_128] : memref<32768x2048xf32, #tpu.memory_space<hbm>> -> memref<32x2048xf32, #tpu.memory_space<hbm>>
            tpu.enqueue_dma source(%dma_start3A_129 : memref<32x2048xf32, #tpu.memory_space<hbm>>) target(%dma_start3A_127 : memref<32x2048xf32, #tpu.memory_space<vmem_shared>>) target_semaphore(%dma_start3A_118 : memref<!tpu.dma_semaphore, #tpu.memory_space<semaphore_mem>>)
          } else {
          }
          %mul3A_95 = arith.constant 32 : i32
          %mul3A_96 = arith.muli %scan3A_60, %mul3A_95 : i32
          %add3A_97 = arith.addi %mul3A_2, %mul3A_96 : i32
          %dma_start3A_98 = tpu.memref_slice %arg8[%rem3A_62] : memref<2x!tpu.dma_semaphore, #tpu.memory_space<semaphore_mem>> -> memref<1x!tpu.dma_semaphore, #tpu.memory_space<semaphore_mem>>
          %dma_start3A_99 = tpu.memref_squeeze %dma_start3A_98 : memref<1x!tpu.dma_semaphore, #tpu.memory_space<semaphore_mem>> -> memref<!tpu.dma_semaphore, #tpu.memory_space<semaphore_mem>>
          %dma_start3A_100 = arith.constant 0 : i32
          %dma_start3A_101 = tpu.memref_slice %arg4[%add3A_97, %dma_start3A_100] : memref<32768x2048xf32, #tpu.memory_space<hbm>> -> memref<32x2048xf32, #tpu.memory_space<hbm>>
          %dma_start3A_102 = arith.constant 0 : i32
          %dma_start3A_103 = arith.constant 0 : i32
          %dma_start3A_104 = arith.constant 0 : i32
          %dma_start3A_105 = tpu.memref_slice %arg6[%sub3A_21, %dma_start3A_102, %dma_start3A_103, %dma_start3A_104] : memref<8x2x32x2048xf32, #tpu.memory_space<vmem_shared>> -> memref<1x2x32x2048xf32, #tpu.memory_space<vmem_shared>>
          %dma_start3A_106 = tpu.memref_squeeze %dma_start3A_105 : memref<1x2x32x2048xf32, #tpu.memory_space<vmem_shared>> -> memref<2x32x2048xf32, #tpu.memory_space<vmem_shared>>
          %dma_start3A_107 = arith.constant 0 : i32
          %dma_start3A_108 = arith.constant 0 : i32
          %dma_start3A_109 = tpu.memref_slice %dma_start3A_106[%rem3A_62, %dma_start3A_107, %dma_start3A_108] : memref<2x32x2048xf32, #tpu.memory_space<vmem_shared>> -> memref<1x32x2048xf32, #tpu.memory_space<vmem_shared>>
          %dma_start3A_110 = tpu.memref_squeeze %dma_start3A_109 : memref<1x32x2048xf32, #tpu.memory_space<vmem_shared>> -> memref<32x2048xf32, #tpu.memory_space<vmem_shared>>
          tpu.enqueue_dma source(%dma_start3A_110 : memref<32x2048xf32, #tpu.memory_space<vmem_shared>>) target(%dma_start3A_101 : memref<32x2048xf32, #tpu.memory_space<hbm>>) target_semaphore(%dma_start3A_99 : memref<!tpu.dma_semaphore, #tpu.memory_space<semaphore_mem>>)
          %scan3A_111 = arith.constant 0 : i32
          scf.yield %scan3A_111 : i32
        }
        %scan3A_43 = arith.constant 32 : i32
        %add3A_44 = arith.constant 992 : i32
        %add3A_45 = arith.addi %mul3A_2, %add3A_44 : i32
        %dma_wait3A = arith.constant 1 : i32
        %dma_wait3A_46 = arith.constant 1 : i32
        %dma_wait3A_47 = tpu.memref_slice %arg8[%dma_wait3A_46] : memref<2x!tpu.dma_semaphore, #tpu.memory_space<semaphore_mem>> -> memref<1x!tpu.dma_semaphore, #tpu.memory_space<semaphore_mem>>
        %dma_wait3A_48 = tpu.memref_squeeze %dma_wait3A_47 : memref<1x!tpu.dma_semaphore, #tpu.memory_space<semaphore_mem>> -> memref<!tpu.dma_semaphore, #tpu.memory_space<semaphore_mem>>
        %dma_wait3A_49 = arith.constant 0 : i32
        %dma_wait3A_50 = tpu.memref_slice %arg4[%add3A_45, %dma_wait3A_49] : memref<32768x2048xf32, #tpu.memory_space<hbm>> -> memref<32x2048xf32, #tpu.memory_space<hbm>>
        %dma_wait3A_51 = arith.constant 0 : i32
        %dma_wait3A_52 = arith.constant 0 : i32
        %dma_wait3A_53 = arith.constant 0 : i32
        %dma_wait3A_54 = tpu.memref_slice %arg6[%sub3A_21, %dma_wait3A_51, %dma_wait3A_52, %dma_wait3A_53] : memref<8x2x32x2048xf32, #tpu.memory_space<vmem_shared>> -> memref<1x2x32x2048xf32, #tpu.memory_space<vmem_shared>>
        %dma_wait3A_55 = tpu.memref_squeeze %dma_wait3A_54 : memref<1x2x32x2048xf32, #tpu.memory_space<vmem_shared>> -> memref<2x32x2048xf32, #tpu.memory_space<vmem_shared>>
        %dma_wait3A_56 = arith.constant 0 : i32
        %dma_wait3A_57 = arith.constant 0 : i32
        %dma_wait3A_58 = tpu.memref_slice %dma_wait3A_55[%dma_wait3A, %dma_wait3A_56, %dma_wait3A_57] : memref<2x32x2048xf32, #tpu.memory_space<vmem_shared>> -> memref<1x32x2048xf32, #tpu.memory_space<vmem_shared>>
        %dma_wait3A_59 = tpu.memref_squeeze %dma_wait3A_58 : memref<1x32x2048xf32, #tpu.memory_space<vmem_shared>> -> memref<32x2048xf32, #tpu.memory_space<vmem_shared>>
        tpu.wait_dma2 semaphore(%dma_wait3A_48 : memref<!tpu.dma_semaphore, #tpu.memory_space<semaphore_mem>>) src(%dma_wait3A_59 : memref<32x2048xf32, #tpu.memory_space<vmem_shared>>) dst(%dma_wait3A_50 : memref<32x2048xf32, #tpu.memory_space<hbm>>)
      } else {
      }
    } else {
    }
    %ge3A = arith.constant 16 : i32
    %ge3A_5 = arith.cmpi sge, %add3A, %ge3A : i32
    %convert_element_type3A_6 = arith.extui %ge3A_5 : i1 to i32
    %cond3A_7 = arith.constant 0 : i32
    %cond3A_8 = arith.cmpi ne, %convert_element_type3A_6, %cond3A_7 : i32
    scf.if %cond3A_8 {
      %sub3A = arith.constant 16384 : i32
      %sub3A_9 = arith.subi %mul3A_2, %sub3A : i32
      %lt3A_10 = arith.constant 8 : i32
      %lt3A_11 = arith.cmpi slt, %arg1, %lt3A_10 : i32
      %convert_element_type3A_12 = arith.extui %lt3A_11 : i1 to i32
      %cond3A_13 = arith.constant 0 : i32
      %cond3A_14 = arith.cmpi ne, %convert_element_type3A_12, %cond3A_13 : i32
      scf.if %cond3A_14 {
        %add3A_20 = arith.constant 0 : i32
        %add3A_21 = arith.addi %sub3A_9, %add3A_20 : i32
        %dma_start3A = arith.constant 0 : i32
        %dma_start3A_22 = arith.constant 0 : i32
        %dma_start3A_23 = arith.constant 0 : i32
        %dma_start3A_24 = arith.constant 0 : i32
        %dma_start3A_25 = tpu.memref_slice %arg5[%dma_start3A, %dma_start3A_23, %dma_start3A_24] : memref<2x16x2048xf32, #tpu.memory_space<vmem>> -> memref<1x16x2048xf32, #tpu.memory_space<vmem>>
        %dma_start3A_26 = tpu.memref_squeeze %dma_start3A_25 : memref<1x16x2048xf32, #tpu.memory_space<vmem>> -> memref<16x2048xf32, #tpu.memory_space<vmem>>
        %dma_start3A_27 = arith.constant 0 : i32
        %dma_start3A_28 = tpu.memref_slice %arg3[%add3A_21, %dma_start3A_27] : memref<16384x2048xf32, #tpu.memory_space<hbm>> -> memref<16x2048xf32, #tpu.memory_space<hbm>>
        %dma_start3A_29 = tpu.memref_slice %arg7[%dma_start3A_22] : memref<2x!tpu.dma_semaphore, #tpu.memory_space<semaphore_mem>> -> memref<1x!tpu.dma_semaphore, #tpu.memory_space<semaphore_mem>>
        %dma_start3A_30 = tpu.memref_squeeze %dma_start3A_29 : memref<1x!tpu.dma_semaphore, #tpu.memory_space<semaphore_mem>> -> memref<!tpu.dma_semaphore, #tpu.memory_space<semaphore_mem>>
        %dma_start3A_31 = arith.constant 0 : i32
        %dma_start3A_32 = arith.constant 0 : i32
        %dma_start3A_33 = tpu.memref_slice %arg5[%dma_start3A, %dma_start3A_31, %dma_start3A_32] : memref<2x16x2048xf32, #tpu.memory_space<vmem>> -> memref<1x16x2048xf32, #tpu.memory_space<vmem>>
        %dma_start3A_34 = tpu.memref_squeeze %dma_start3A_33 : memref<1x16x2048xf32, #tpu.memory_space<vmem>> -> memref<16x2048xf32, #tpu.memory_space<vmem>>
        %dma_start3A_35 = arith.constant 0 : i32
        %dma_start3A_36 = tpu.memref_slice %arg3[%add3A_21, %dma_start3A_35] : memref<16384x2048xf32, #tpu.memory_space<hbm>> -> memref<16x2048xf32, #tpu.memory_space<hbm>>
        tpu.enqueue_dma source(%dma_start3A_36 : memref<16x2048xf32, #tpu.memory_space<hbm>>) target(%dma_start3A_34 : memref<16x2048xf32, #tpu.memory_space<vmem>>) target_semaphore(%dma_start3A_30 : memref<!tpu.dma_semaphore, #tpu.memory_space<semaphore_mem>>)
        %scan3A = arith.constant 0 : i32
        %scan3A_37 = arith.constant 0 : i32
        %scan3A_38 = arith.constant 64 : i32
        %scan3A_39 = arith.addi %scan3A_37, %scan3A_38 : i32
        %scan3A_40 = arith.constant 1 : i32
        %scan3A_41 = scf.for %scan3A_60 = %scan3A_37 to %scan3A_39 step %scan3A_40 iter_args(%scan3A_61 = %scan3A) -> (i32)  : i32 {
          %rem3A = arith.constant 2 : i32
          %rem3A_62 = arith.remsi %scan3A_60, %rem3A : i32
          %add3A_63 = arith.constant 1 : i32
          %add3A_64 = arith.addi %scan3A_60, %add3A_63 : i32
          %rem3A_65 = arith.constant 2 : i32
          %rem3A_66 = arith.remsi %add3A_64, %rem3A_65 : i32
          %mul3A_67 = arith.constant 16 : i32
          %mul3A_68 = arith.muli %scan3A_60, %mul3A_67 : i32
          %add3A_69 = arith.addi %sub3A_9, %mul3A_68 : i32
          %dma_wait3A_70 = arith.constant 0 : i32
          %dma_wait3A_71 = arith.constant 0 : i32
          %dma_wait3A_72 = tpu.memref_slice %arg5[%rem3A_62, %dma_wait3A_70, %dma_wait3A_71] : memref<2x16x2048xf32, #tpu.memory_space<vmem>> -> memref<1x16x2048xf32, #tpu.memory_space<vmem>>
          %dma_wait3A_73 = tpu.memref_squeeze %dma_wait3A_72 : memref<1x16x2048xf32, #tpu.memory_space<vmem>> -> memref<16x2048xf32, #tpu.memory_space<vmem>>
          %dma_wait3A_74 = arith.constant 0 : i32
          %dma_wait3A_75 = tpu.memref_slice %arg3[%add3A_69, %dma_wait3A_74] : memref<16384x2048xf32, #tpu.memory_space<hbm>> -> memref<16x2048xf32, #tpu.memory_space<hbm>>
          %dma_wait3A_76 = tpu.memref_slice %arg7[%rem3A_62] : memref<2x!tpu.dma_semaphore, #tpu.memory_space<semaphore_mem>> -> memref<1x!tpu.dma_semaphore, #tpu.memory_space<semaphore_mem>>
          %dma_wait3A_77 = tpu.memref_squeeze %dma_wait3A_76 : memref<1x!tpu.dma_semaphore, #tpu.memory_space<semaphore_mem>> -> memref<!tpu.dma_semaphore, #tpu.memory_space<semaphore_mem>>
          %dma_wait3A_78 = arith.constant 0 : i32
          %dma_wait3A_79 = arith.constant 0 : i32
          %dma_wait3A_80 = tpu.memref_slice %arg5[%rem3A_62, %dma_wait3A_78, %dma_wait3A_79] : memref<2x16x2048xf32, #tpu.memory_space<vmem>> -> memref<1x16x2048xf32, #tpu.memory_space<vmem>>
          %dma_wait3A_81 = tpu.memref_squeeze %dma_wait3A_80 : memref<1x16x2048xf32, #tpu.memory_space<vmem>> -> memref<16x2048xf32, #tpu.memory_space<vmem>>
          %dma_wait3A_82 = arith.constant 0 : i32
          %dma_wait3A_83 = tpu.memref_slice %arg3[%add3A_69, %dma_wait3A_82] : memref<16384x2048xf32, #tpu.memory_space<hbm>> -> memref<16x2048xf32, #tpu.memory_space<hbm>>
          tpu.wait_dma2 semaphore(%dma_wait3A_77 : memref<!tpu.dma_semaphore, #tpu.memory_space<semaphore_mem>>) src(%dma_wait3A_83 : memref<16x2048xf32, #tpu.memory_space<hbm>>) dst(%dma_wait3A_81 : memref<16x2048xf32, #tpu.memory_space<vmem>>)
          %ge3A_84 = arith.constant 1 : i32
          %ge3A_85 = arith.cmpi sge, %scan3A_60, %ge3A_84 : i32
          %convert_element_type3A_86 = arith.extui %ge3A_85 : i1 to i32
          %cond3A_87 = arith.constant 0 : i32
          %cond3A_88 = arith.cmpi ne, %convert_element_type3A_86, %cond3A_87 : i32
          scf.if %cond3A_88 {
            %sub3A_114 = arith.constant 1 : i32
            %sub3A_115 = arith.subi %scan3A_60, %sub3A_114 : i32
            %mul3A_116 = arith.constant 16 : i32
            %mul3A_117 = arith.muli %sub3A_115, %mul3A_116 : i32
            %add3A_118 = arith.addi %mul3A_2, %mul3A_117 : i32
            %dma_wait3A_119 = arith.constant 0 : i32
            %dma_wait3A_120 = arith.constant 0 : i32
            %dma_wait3A_121 = tpu.memref_slice %arg5[%rem3A_66, %dma_wait3A_119, %dma_wait3A_120] : memref<2x16x2048xf32, #tpu.memory_space<vmem>> -> memref<1x16x2048xf32, #tpu.memory_space<vmem>>
            %dma_wait3A_122 = tpu.memref_squeeze %dma_wait3A_121 : memref<1x16x2048xf32, #tpu.memory_space<vmem>> -> memref<16x2048xf32, #tpu.memory_space<vmem>>
            %dma_wait3A_123 = arith.constant 0 : i32
            %dma_wait3A_124 = tpu.memref_slice %arg4[%add3A_118, %dma_wait3A_123] : memref<32768x2048xf32, #tpu.memory_space<hbm>> -> memref<16x2048xf32, #tpu.memory_space<hbm>>
            %dma_wait3A_125 = tpu.memref_slice %arg8[%rem3A_66] : memref<2x!tpu.dma_semaphore, #tpu.memory_space<semaphore_mem>> -> memref<1x!tpu.dma_semaphore, #tpu.memory_space<semaphore_mem>>
            %dma_wait3A_126 = tpu.memref_squeeze %dma_wait3A_125 : memref<1x!tpu.dma_semaphore, #tpu.memory_space<semaphore_mem>> -> memref<!tpu.dma_semaphore, #tpu.memory_space<semaphore_mem>>
            %dma_wait3A_127 = arith.constant 0 : i32
            %dma_wait3A_128 = tpu.memref_slice %arg4[%add3A_118, %dma_wait3A_127] : memref<32768x2048xf32, #tpu.memory_space<hbm>> -> memref<16x2048xf32, #tpu.memory_space<hbm>>
            %dma_wait3A_129 = arith.constant 0 : i32
            %dma_wait3A_130 = arith.constant 0 : i32
            %dma_wait3A_131 = tpu.memref_slice %arg5[%rem3A_66, %dma_wait3A_129, %dma_wait3A_130] : memref<2x16x2048xf32, #tpu.memory_space<vmem>> -> memref<1x16x2048xf32, #tpu.memory_space<vmem>>
            %dma_wait3A_132 = tpu.memref_squeeze %dma_wait3A_131 : memref<1x16x2048xf32, #tpu.memory_space<vmem>> -> memref<16x2048xf32, #tpu.memory_space<vmem>>
            tpu.wait_dma2 semaphore(%dma_wait3A_126 : memref<!tpu.dma_semaphore, #tpu.memory_space<semaphore_mem>>) src(%dma_wait3A_132 : memref<16x2048xf32, #tpu.memory_space<vmem>>) dst(%dma_wait3A_128 : memref<16x2048xf32, #tpu.memory_space<hbm>>)
          } else {
          }
          %add3A_89 = arith.constant 1 : i32
          %add3A_90 = arith.addi %scan3A_60, %add3A_89 : i32
          %lt3A_91 = arith.constant 64 : i32
          %lt3A_92 = arith.cmpi slt, %add3A_90, %lt3A_91 : i32
          %convert_element_type3A_93 = arith.extui %lt3A_92 : i1 to i32
          %cond3A_94 = arith.constant 0 : i32
          %cond3A_95 = arith.cmpi ne, %convert_element_type3A_93, %cond3A_94 : i32
          scf.if %cond3A_95 {
            %add3A_114 = arith.constant 1 : i32
            %add3A_115 = arith.addi %scan3A_60, %add3A_114 : i32
            %mul3A_116 = arith.constant 16 : i32
            %mul3A_117 = arith.muli %add3A_115, %mul3A_116 : i32
            %add3A_118 = arith.addi %sub3A_9, %mul3A_117 : i32
            %dma_start3A_119 = arith.constant 0 : i32
            %dma_start3A_120 = arith.constant 0 : i32
            %dma_start3A_121 = tpu.memref_slice %arg5[%rem3A_66, %dma_start3A_119, %dma_start3A_120] : memref<2x16x2048xf32, #tpu.memory_space<vmem>> -> memref<1x16x2048xf32, #tpu.memory_space<vmem>>
            %dma_start3A_122 = tpu.memref_squeeze %dma_start3A_121 : memref<1x16x2048xf32, #tpu.memory_space<vmem>> -> memref<16x2048xf32, #tpu.memory_space<vmem>>
            %dma_start3A_123 = arith.constant 0 : i32
            %dma_start3A_124 = tpu.memref_slice %arg3[%add3A_118, %dma_start3A_123] : memref<16384x2048xf32, #tpu.memory_space<hbm>> -> memref<16x2048xf32, #tpu.memory_space<hbm>>
            %dma_start3A_125 = tpu.memref_slice %arg7[%rem3A_66] : memref<2x!tpu.dma_semaphore, #tpu.memory_space<semaphore_mem>> -> memref<1x!tpu.dma_semaphore, #tpu.memory_space<semaphore_mem>>
            %dma_start3A_126 = tpu.memref_squeeze %dma_start3A_125 : memref<1x!tpu.dma_semaphore, #tpu.memory_space<semaphore_mem>> -> memref<!tpu.dma_semaphore, #tpu.memory_space<semaphore_mem>>
            %dma_start3A_127 = arith.constant 0 : i32
            %dma_start3A_128 = arith.constant 0 : i32
            %dma_start3A_129 = tpu.memref_slice %arg5[%rem3A_66, %dma_start3A_127, %dma_start3A_128] : memref<2x16x2048xf32, #tpu.memory_space<vmem>> -> memref<1x16x2048xf32, #tpu.memory_space<vmem>>
            %dma_start3A_130 = tpu.memref_squeeze %dma_start3A_129 : memref<1x16x2048xf32, #tpu.memory_space<vmem>> -> memref<16x2048xf32, #tpu.memory_space<vmem>>
            %dma_start3A_131 = arith.constant 0 : i32
            %dma_start3A_132 = tpu.memref_slice %arg3[%add3A_118, %dma_start3A_131] : memref<16384x2048xf32, #tpu.memory_space<hbm>> -> memref<16x2048xf32, #tpu.memory_space<hbm>>
            tpu.enqueue_dma source(%dma_start3A_132 : memref<16x2048xf32, #tpu.memory_space<hbm>>) target(%dma_start3A_130 : memref<16x2048xf32, #tpu.memory_space<vmem>>) target_semaphore(%dma_start3A_126 : memref<!tpu.dma_semaphore, #tpu.memory_space<semaphore_mem>>)
          } else {
          }
          %mul3A_96 = arith.constant 16 : i32
          %mul3A_97 = arith.muli %scan3A_60, %mul3A_96 : i32
          %add3A_98 = arith.addi %mul3A_2, %mul3A_97 : i32
          %dma_start3A_99 = arith.constant 0 : i32
          %dma_start3A_100 = arith.constant 0 : i32
          %dma_start3A_101 = tpu.memref_slice %arg5[%rem3A_62, %dma_start3A_99, %dma_start3A_100] : memref<2x16x2048xf32, #tpu.memory_space<vmem>> -> memref<1x16x2048xf32, #tpu.memory_space<vmem>>
          %dma_start3A_102 = tpu.memref_squeeze %dma_start3A_101 : memref<1x16x2048xf32, #tpu.memory_space<vmem>> -> memref<16x2048xf32, #tpu.memory_space<vmem>>
          %dma_start3A_103 = arith.constant 0 : i32
          %dma_start3A_104 = tpu.memref_slice %arg4[%add3A_98, %dma_start3A_103] : memref<32768x2048xf32, #tpu.memory_space<hbm>> -> memref<16x2048xf32, #tpu.memory_space<hbm>>
          %dma_start3A_105 = tpu.memref_slice %arg8[%rem3A_62] : memref<2x!tpu.dma_semaphore, #tpu.memory_space<semaphore_mem>> -> memref<1x!tpu.dma_semaphore, #tpu.memory_space<semaphore_mem>>
          %dma_start3A_106 = tpu.memref_squeeze %dma_start3A_105 : memref<1x!tpu.dma_semaphore, #tpu.memory_space<semaphore_mem>> -> memref<!tpu.dma_semaphore, #tpu.memory_space<semaphore_mem>>
          %dma_start3A_107 = arith.constant 0 : i32
          %dma_start3A_108 = tpu.memref_slice %arg4[%add3A_98, %dma_start3A_107] : memref<32768x2048xf32, #tpu.memory_space<hbm>> -> memref<16x2048xf32, #tpu.memory_space<hbm>>
          %dma_start3A_109 = arith.constant 0 : i32
          %dma_start3A_110 = arith.constant 0 : i32
          %dma_start3A_111 = tpu.memref_slice %arg5[%rem3A_62, %dma_start3A_109, %dma_start3A_110] : memref<2x16x2048xf32, #tpu.memory_space<vmem>> -> memref<1x16x2048xf32, #tpu.memory_space<vmem>>
          %dma_start3A_112 = tpu.memref_squeeze %dma_start3A_111 : memref<1x16x2048xf32, #tpu.memory_space<vmem>> -> memref<16x2048xf32, #tpu.memory_space<vmem>>
          tpu.enqueue_dma source(%dma_start3A_112 : memref<16x2048xf32, #tpu.memory_space<vmem>>) target(%dma_start3A_108 : memref<16x2048xf32, #tpu.memory_space<hbm>>) target_semaphore(%dma_start3A_106 : memref<!tpu.dma_semaphore, #tpu.memory_space<semaphore_mem>>)
          %scan3A_113 = arith.constant 0 : i32
          scf.yield %scan3A_113 : i32
        }
        %scan3A_42 = arith.constant 64 : i32
        %add3A_43 = arith.constant 1008 : i32
        %add3A_44 = arith.addi %mul3A_2, %add3A_43 : i32
        %dma_wait3A = arith.constant 1 : i32
        %dma_wait3A_45 = arith.constant 1 : i32
        %dma_wait3A_46 = arith.constant 0 : i32
        %dma_wait3A_47 = arith.constant 0 : i32
        %dma_wait3A_48 = tpu.memref_slice %arg5[%dma_wait3A, %dma_wait3A_46, %dma_wait3A_47] : memref<2x16x2048xf32, #tpu.memory_space<vmem>> -> memref<1x16x2048xf32, #tpu.memory_space<vmem>>
        %dma_wait3A_49 = tpu.memref_squeeze %dma_wait3A_48 : memref<1x16x2048xf32, #tpu.memory_space<vmem>> -> memref<16x2048xf32, #tpu.memory_space<vmem>>
        %dma_wait3A_50 = arith.constant 0 : i32
        %dma_wait3A_51 = tpu.memref_slice %arg4[%add3A_44, %dma_wait3A_50] : memref<32768x2048xf32, #tpu.memory_space<hbm>> -> memref<16x2048xf32, #tpu.memory_space<hbm>>
        %dma_wait3A_52 = tpu.memref_slice %arg8[%dma_wait3A_45] : memref<2x!tpu.dma_semaphore, #tpu.memory_space<semaphore_mem>> -> memref<1x!tpu.dma_semaphore, #tpu.memory_space<semaphore_mem>>
        %dma_wait3A_53 = tpu.memref_squeeze %dma_wait3A_52 : memref<1x!tpu.dma_semaphore, #tpu.memory_space<semaphore_mem>> -> memref<!tpu.dma_semaphore, #tpu.memory_space<semaphore_mem>>
        %dma_wait3A_54 = arith.constant 0 : i32
        %dma_wait3A_55 = tpu.memref_slice %arg4[%add3A_44, %dma_wait3A_54] : memref<32768x2048xf32, #tpu.memory_space<hbm>> -> memref<16x2048xf32, #tpu.memory_space<hbm>>
        %dma_wait3A_56 = arith.constant 0 : i32
        %dma_wait3A_57 = arith.constant 0 : i32
        %dma_wait3A_58 = tpu.memref_slice %arg5[%dma_wait3A, %dma_wait3A_56, %dma_wait3A_57] : memref<2x16x2048xf32, #tpu.memory_space<vmem>> -> memref<1x16x2048xf32, #tpu.memory_space<vmem>>
        %dma_wait3A_59 = tpu.memref_squeeze %dma_wait3A_58 : memref<1x16x2048xf32, #tpu.memory_space<vmem>> -> memref<16x2048xf32, #tpu.memory_space<vmem>>
        tpu.wait_dma2 semaphore(%dma_wait3A_53 : memref<!tpu.dma_semaphore, #tpu.memory_space<semaphore_mem>>) src(%dma_wait3A_59 : memref<16x2048xf32, #tpu.memory_space<vmem>>) dst(%dma_wait3A_55 : memref<16x2048xf32, #tpu.memory_space<hbm>>)
      } else {
      }
      %ge3A_15 = arith.constant 8 : i32
      %ge3A_16 = arith.cmpi sge, %arg1, %ge3A_15 : i32
      %convert_element_type3A_17 = arith.extui %ge3A_16 : i1 to i32
      %cond3A_18 = arith.constant 0 : i32
      %cond3A_19 = arith.cmpi ne, %convert_element_type3A_17, %cond3A_18 : i32
      scf.if %cond3A_19 {
        %sub3A_20 = arith.constant 8 : i32
        %sub3A_21 = arith.subi %arg1, %sub3A_20 : i32
        %add3A_22 = arith.constant 0 : i32
        %add3A_23 = arith.addi %sub3A_9, %add3A_22 : i32
        %dma_start3A = arith.constant 0 : i32
        %dma_start3A_24 = arith.constant 0 : i32
        %dma_start3A_25 = tpu.memref_slice %arg7[%dma_start3A_24] : memref<2x!tpu.dma_semaphore, #tpu.memory_space<semaphore_mem>> -> memref<1x!tpu.dma_semaphore, #tpu.memory_space<semaphore_mem>>
        %dma_start3A_26 = tpu.memref_squeeze %dma_start3A_25 : memref<1x!tpu.dma_semaphore, #tpu.memory_space<semaphore_mem>> -> memref<!tpu.dma_semaphore, #tpu.memory_space<semaphore_mem>>
        %dma_start3A_27 = arith.constant 0 : i32
        %dma_start3A_28 = arith.constant 0 : i32
        %dma_start3A_29 = arith.constant 0 : i32
        %dma_start3A_30 = tpu.memref_slice %arg6[%sub3A_21, %dma_start3A_27, %dma_start3A_28, %dma_start3A_29] : memref<8x2x32x2048xf32, #tpu.memory_space<vmem_shared>> -> memref<1x2x32x2048xf32, #tpu.memory_space<vmem_shared>>
        %dma_start3A_31 = tpu.memref_squeeze %dma_start3A_30 : memref<1x2x32x2048xf32, #tpu.memory_space<vmem_shared>> -> memref<2x32x2048xf32, #tpu.memory_space<vmem_shared>>
        %dma_start3A_32 = arith.constant 0 : i32
        %dma_start3A_33 = arith.constant 0 : i32
        %dma_start3A_34 = tpu.memref_slice %dma_start3A_31[%dma_start3A, %dma_start3A_32, %dma_start3A_33] : memref<2x32x2048xf32, #tpu.memory_space<vmem_shared>> -> memref<1x32x2048xf32, #tpu.memory_space<vmem_shared>>
        %dma_start3A_35 = tpu.memref_squeeze %dma_start3A_34 : memref<1x32x2048xf32, #tpu.memory_space<vmem_shared>> -> memref<32x2048xf32, #tpu.memory_space<vmem_shared>>
        %dma_start3A_36 = arith.constant 0 : i32
        %dma_start3A_37 = tpu.memref_slice %arg3[%add3A_23, %dma_start3A_36] : memref<16384x2048xf32, #tpu.memory_space<hbm>> -> memref<32x2048xf32, #tpu.memory_space<hbm>>
        tpu.enqueue_dma source(%dma_start3A_37 : memref<32x2048xf32, #tpu.memory_space<hbm>>) target(%dma_start3A_35 : memref<32x2048xf32, #tpu.memory_space<vmem_shared>>) target_semaphore(%dma_start3A_26 : memref<!tpu.dma_semaphore, #tpu.memory_space<semaphore_mem>>)
        %scan3A = arith.constant 0 : i32
        %scan3A_38 = arith.constant 0 : i32
        %scan3A_39 = arith.constant 32 : i32
        %scan3A_40 = arith.addi %scan3A_38, %scan3A_39 : i32
        %scan3A_41 = arith.constant 1 : i32
        %scan3A_42 = scf.for %scan3A_60 = %scan3A_38 to %scan3A_40 step %scan3A_41 iter_args(%scan3A_61 = %scan3A) -> (i32)  : i32 {
          %rem3A = arith.constant 2 : i32
          %rem3A_62 = arith.remsi %scan3A_60, %rem3A : i32
          %add3A_63 = arith.constant 1 : i32
          %add3A_64 = arith.addi %scan3A_60, %add3A_63 : i32
          %rem3A_65 = arith.constant 2 : i32
          %rem3A_66 = arith.remsi %add3A_64, %rem3A_65 : i32
          %mul3A_67 = arith.constant 32 : i32
          %mul3A_68 = arith.muli %scan3A_60, %mul3A_67 : i32
          %add3A_69 = arith.addi %sub3A_9, %mul3A_68 : i32
          %dma_wait3A_70 = tpu.memref_slice %arg7[%rem3A_62] : memref<2x!tpu.dma_semaphore, #tpu.memory_space<semaphore_mem>> -> memref<1x!tpu.dma_semaphore, #tpu.memory_space<semaphore_mem>>
          %dma_wait3A_71 = tpu.memref_squeeze %dma_wait3A_70 : memref<1x!tpu.dma_semaphore, #tpu.memory_space<semaphore_mem>> -> memref<!tpu.dma_semaphore, #tpu.memory_space<semaphore_mem>>
          %dma_wait3A_72 = arith.constant 0 : i32
          %dma_wait3A_73 = arith.constant 0 : i32
          %dma_wait3A_74 = arith.constant 0 : i32
          %dma_wait3A_75 = tpu.memref_slice %arg6[%sub3A_21, %dma_wait3A_72, %dma_wait3A_73, %dma_wait3A_74] : memref<8x2x32x2048xf32, #tpu.memory_space<vmem_shared>> -> memref<1x2x32x2048xf32, #tpu.memory_space<vmem_shared>>
          %dma_wait3A_76 = tpu.memref_squeeze %dma_wait3A_75 : memref<1x2x32x2048xf32, #tpu.memory_space<vmem_shared>> -> memref<2x32x2048xf32, #tpu.memory_space<vmem_shared>>
          %dma_wait3A_77 = arith.constant 0 : i32
          %dma_wait3A_78 = arith.constant 0 : i32
          %dma_wait3A_79 = tpu.memref_slice %dma_wait3A_76[%rem3A_62, %dma_wait3A_77, %dma_wait3A_78] : memref<2x32x2048xf32, #tpu.memory_space<vmem_shared>> -> memref<1x32x2048xf32, #tpu.memory_space<vmem_shared>>
          %dma_wait3A_80 = tpu.memref_squeeze %dma_wait3A_79 : memref<1x32x2048xf32, #tpu.memory_space<vmem_shared>> -> memref<32x2048xf32, #tpu.memory_space<vmem_shared>>
          %dma_wait3A_81 = arith.constant 0 : i32
          %dma_wait3A_82 = tpu.memref_slice %arg3[%add3A_69, %dma_wait3A_81] : memref<16384x2048xf32, #tpu.memory_space<hbm>> -> memref<32x2048xf32, #tpu.memory_space<hbm>>
          tpu.wait_dma2 semaphore(%dma_wait3A_71 : memref<!tpu.dma_semaphore, #tpu.memory_space<semaphore_mem>>) src(%dma_wait3A_82 : memref<32x2048xf32, #tpu.memory_space<hbm>>) dst(%dma_wait3A_80 : memref<32x2048xf32, #tpu.memory_space<vmem_shared>>)
          %ge3A_83 = arith.constant 1 : i32
          %ge3A_84 = arith.cmpi sge, %scan3A_60, %ge3A_83 : i32
          %convert_element_type3A_85 = arith.extui %ge3A_84 : i1 to i32
          %cond3A_86 = arith.constant 0 : i32
          %cond3A_87 = arith.cmpi ne, %convert_element_type3A_85, %cond3A_86 : i32
          scf.if %cond3A_87 {
            %sub3A_112 = arith.constant 1 : i32
            %sub3A_113 = arith.subi %scan3A_60, %sub3A_112 : i32
            %mul3A_114 = arith.constant 32 : i32
            %mul3A_115 = arith.muli %sub3A_113, %mul3A_114 : i32
            %add3A_116 = arith.addi %mul3A_2, %mul3A_115 : i32
            %dma_wait3A_117 = tpu.memref_slice %arg8[%rem3A_66] : memref<2x!tpu.dma_semaphore, #tpu.memory_space<semaphore_mem>> -> memref<1x!tpu.dma_semaphore, #tpu.memory_space<semaphore_mem>>
            %dma_wait3A_118 = tpu.memref_squeeze %dma_wait3A_117 : memref<1x!tpu.dma_semaphore, #tpu.memory_space<semaphore_mem>> -> memref<!tpu.dma_semaphore, #tpu.memory_space<semaphore_mem>>
            %dma_wait3A_119 = arith.constant 0 : i32
            %dma_wait3A_120 = tpu.memref_slice %arg4[%add3A_116, %dma_wait3A_119] : memref<32768x2048xf32, #tpu.memory_space<hbm>> -> memref<32x2048xf32, #tpu.memory_space<hbm>>
            %dma_wait3A_121 = arith.constant 0 : i32
            %dma_wait3A_122 = arith.constant 0 : i32
            %dma_wait3A_123 = arith.constant 0 : i32
            %dma_wait3A_124 = tpu.memref_slice %arg6[%sub3A_21, %dma_wait3A_121, %dma_wait3A_122, %dma_wait3A_123] : memref<8x2x32x2048xf32, #tpu.memory_space<vmem_shared>> -> memref<1x2x32x2048xf32, #tpu.memory_space<vmem_shared>>
            %dma_wait3A_125 = tpu.memref_squeeze %dma_wait3A_124 : memref<1x2x32x2048xf32, #tpu.memory_space<vmem_shared>> -> memref<2x32x2048xf32, #tpu.memory_space<vmem_shared>>
            %dma_wait3A_126 = arith.constant 0 : i32
            %dma_wait3A_127 = arith.constant 0 : i32
            %dma_wait3A_128 = tpu.memref_slice %dma_wait3A_125[%rem3A_66, %dma_wait3A_126, %dma_wait3A_127] : memref<2x32x2048xf32, #tpu.memory_space<vmem_shared>> -> memref<1x32x2048xf32, #tpu.memory_space<vmem_shared>>
            %dma_wait3A_129 = tpu.memref_squeeze %dma_wait3A_128 : memref<1x32x2048xf32, #tpu.memory_space<vmem_shared>> -> memref<32x2048xf32, #tpu.memory_space<vmem_shared>>
            tpu.wait_dma2 semaphore(%dma_wait3A_118 : memref<!tpu.dma_semaphore, #tpu.memory_space<semaphore_mem>>) src(%dma_wait3A_129 : memref<32x2048xf32, #tpu.memory_space<vmem_shared>>) dst(%dma_wait3A_120 : memref<32x2048xf32, #tpu.memory_space<hbm>>)
          } else {
          }
          %add3A_88 = arith.constant 1 : i32
          %add3A_89 = arith.addi %scan3A_60, %add3A_88 : i32
          %lt3A_90 = arith.constant 32 : i32
          %lt3A_91 = arith.cmpi slt, %add3A_89, %lt3A_90 : i32
          %convert_element_type3A_92 = arith.extui %lt3A_91 : i1 to i32
          %cond3A_93 = arith.constant 0 : i32
          %cond3A_94 = arith.cmpi ne, %convert_element_type3A_92, %cond3A_93 : i32
          scf.if %cond3A_94 {
            %add3A_112 = arith.constant 1 : i32
            %add3A_113 = arith.addi %scan3A_60, %add3A_112 : i32
            %mul3A_114 = arith.constant 32 : i32
            %mul3A_115 = arith.muli %add3A_113, %mul3A_114 : i32
            %add3A_116 = arith.addi %sub3A_9, %mul3A_115 : i32
            %dma_start3A_117 = tpu.memref_slice %arg7[%rem3A_66] : memref<2x!tpu.dma_semaphore, #tpu.memory_space<semaphore_mem>> -> memref<1x!tpu.dma_semaphore, #tpu.memory_space<semaphore_mem>>
            %dma_start3A_118 = tpu.memref_squeeze %dma_start3A_117 : memref<1x!tpu.dma_semaphore, #tpu.memory_space<semaphore_mem>> -> memref<!tpu.dma_semaphore, #tpu.memory_space<semaphore_mem>>
            %dma_start3A_119 = arith.constant 0 : i32
            %dma_start3A_120 = arith.constant 0 : i32
            %dma_start3A_121 = arith.constant 0 : i32
            %dma_start3A_122 = tpu.memref_slice %arg6[%sub3A_21, %dma_start3A_119, %dma_start3A_120, %dma_start3A_121] : memref<8x2x32x2048xf32, #tpu.memory_space<vmem_shared>> -> memref<1x2x32x2048xf32, #tpu.memory_space<vmem_shared>>
            %dma_start3A_123 = tpu.memref_squeeze %dma_start3A_122 : memref<1x2x32x2048xf32, #tpu.memory_space<vmem_shared>> -> memref<2x32x2048xf32, #tpu.memory_space<vmem_shared>>
            %dma_start3A_124 = arith.constant 0 : i32
            %dma_start3A_125 = arith.constant 0 : i32
            %dma_start3A_126 = tpu.memref_slice %dma_start3A_123[%rem3A_66, %dma_start3A_124, %dma_start3A_125] : memref<2x32x2048xf32, #tpu.memory_space<vmem_shared>> -> memref<1x32x2048xf32, #tpu.memory_space<vmem_shared>>
            %dma_start3A_127 = tpu.memref_squeeze %dma_start3A_126 : memref<1x32x2048xf32, #tpu.memory_space<vmem_shared>> -> memref<32x2048xf32, #tpu.memory_space<vmem_shared>>
            %dma_start3A_128 = arith.constant 0 : i32
            %dma_start3A_129 = tpu.memref_slice %arg3[%add3A_116, %dma_start3A_128] : memref<16384x2048xf32, #tpu.memory_space<hbm>> -> memref<32x2048xf32, #tpu.memory_space<hbm>>
            tpu.enqueue_dma source(%dma_start3A_129 : memref<32x2048xf32, #tpu.memory_space<hbm>>) target(%dma_start3A_127 : memref<32x2048xf32, #tpu.memory_space<vmem_shared>>) target_semaphore(%dma_start3A_118 : memref<!tpu.dma_semaphore, #tpu.memory_space<semaphore_mem>>)
          } else {
          }
          %mul3A_95 = arith.constant 32 : i32
          %mul3A_96 = arith.muli %scan3A_60, %mul3A_95 : i32
          %add3A_97 = arith.addi %mul3A_2, %mul3A_96 : i32
          %dma_start3A_98 = tpu.memref_slice %arg8[%rem3A_62] : memref<2x!tpu.dma_semaphore, #tpu.memory_space<semaphore_mem>> -> memref<1x!tpu.dma_semaphore, #tpu.memory_space<semaphore_mem>>
          %dma_start3A_99 = tpu.memref_squeeze %dma_start3A_98 : memref<1x!tpu.dma_semaphore, #tpu.memory_space<semaphore_mem>> -> memref<!tpu.dma_semaphore, #tpu.memory_space<semaphore_mem>>
          %dma_start3A_100 = arith.constant 0 : i32
          %dma_start3A_101 = tpu.memref_slice %arg4[%add3A_97, %dma_start3A_100] : memref<32768x2048xf32, #tpu.memory_space<hbm>> -> memref<32x2048xf32, #tpu.memory_space<hbm>>
          %dma_start3A_102 = arith.constant 0 : i32
          %dma_start3A_103 = arith.constant 0 : i32
          %dma_start3A_104 = arith.constant 0 : i32
          %dma_start3A_105 = tpu.memref_slice %arg6[%sub3A_21, %dma_start3A_102, %dma_start3A_103, %dma_start3A_104] : memref<8x2x32x2048xf32, #tpu.memory_space<vmem_shared>> -> memref<1x2x32x2048xf32, #tpu.memory_space<vmem_shared>>
          %dma_start3A_106 = tpu.memref_squeeze %dma_start3A_105 : memref<1x2x32x2048xf32, #tpu.memory_space<vmem_shared>> -> memref<2x32x2048xf32, #tpu.memory_space<vmem_shared>>
          %dma_start3A_107 = arith.constant 0 : i32
          %dma_start3A_108 = arith.constant 0 : i32
          %dma_start3A_109 = tpu.memref_slice %dma_start3A_106[%rem3A_62, %dma_start3A_107, %dma_start3A_108] : memref<2x32x2048xf32, #tpu.memory_space<vmem_shared>> -> memref<1x32x2048xf32, #tpu.memory_space<vmem_shared>>
          %dma_start3A_110 = tpu.memref_squeeze %dma_start3A_109 : memref<1x32x2048xf32, #tpu.memory_space<vmem_shared>> -> memref<32x2048xf32, #tpu.memory_space<vmem_shared>>
          tpu.enqueue_dma source(%dma_start3A_110 : memref<32x2048xf32, #tpu.memory_space<vmem_shared>>) target(%dma_start3A_101 : memref<32x2048xf32, #tpu.memory_space<hbm>>) target_semaphore(%dma_start3A_99 : memref<!tpu.dma_semaphore, #tpu.memory_space<semaphore_mem>>)
          %scan3A_111 = arith.constant 0 : i32
          scf.yield %scan3A_111 : i32
        }
        %scan3A_43 = arith.constant 32 : i32
        %add3A_44 = arith.constant 992 : i32
        %add3A_45 = arith.addi %mul3A_2, %add3A_44 : i32
        %dma_wait3A = arith.constant 1 : i32
        %dma_wait3A_46 = arith.constant 1 : i32
        %dma_wait3A_47 = tpu.memref_slice %arg8[%dma_wait3A_46] : memref<2x!tpu.dma_semaphore, #tpu.memory_space<semaphore_mem>> -> memref<1x!tpu.dma_semaphore, #tpu.memory_space<semaphore_mem>>
        %dma_wait3A_48 = tpu.memref_squeeze %dma_wait3A_47 : memref<1x!tpu.dma_semaphore, #tpu.memory_space<semaphore_mem>> -> memref<!tpu.dma_semaphore, #tpu.memory_space<semaphore_mem>>
        %dma_wait3A_49 = arith.constant 0 : i32
        %dma_wait3A_50 = tpu.memref_slice %arg4[%add3A_45, %dma_wait3A_49] : memref<32768x2048xf32, #tpu.memory_space<hbm>> -> memref<32x2048xf32, #tpu.memory_space<hbm>>
        %dma_wait3A_51 = arith.constant 0 : i32
        %dma_wait3A_52 = arith.constant 0 : i32
        %dma_wait3A_53 = arith.constant 0 : i32
        %dma_wait3A_54 = tpu.memref_slice %arg6[%sub3A_21, %dma_wait3A_51, %dma_wait3A_52, %dma_wait3A_53] : memref<8x2x32x2048xf32, #tpu.memory_space<vmem_shared>> -> memref<1x2x32x2048xf32, #tpu.memory_space<vmem_shared>>
        %dma_wait3A_55 = tpu.memref_squeeze %dma_wait3A_54 : memref<1x2x32x2048xf32, #tpu.memory_space<vmem_shared>> -> memref<2x32x2048xf32, #tpu.memory_space<vmem_shared>>
        %dma_wait3A_56 = arith.constant 0 : i32
        %dma_wait3A_57 = arith.constant 0 : i32
        %dma_wait3A_58 = tpu.memref_slice %dma_wait3A_55[%dma_wait3A, %dma_wait3A_56, %dma_wait3A_57] : memref<2x32x2048xf32, #tpu.memory_space<vmem_shared>> -> memref<1x32x2048xf32, #tpu.memory_space<vmem_shared>>
        %dma_wait3A_59 = tpu.memref_squeeze %dma_wait3A_58 : memref<1x32x2048xf32, #tpu.memory_space<vmem_shared>> -> memref<32x2048xf32, #tpu.memory_space<vmem_shared>>
        tpu.wait_dma2 semaphore(%dma_wait3A_48 : memref<!tpu.dma_semaphore, #tpu.memory_space<semaphore_mem>>) src(%dma_wait3A_59 : memref<32x2048xf32, #tpu.memory_space<vmem_shared>>) dst(%dma_wait3A_50 : memref<32x2048xf32, #tpu.memory_space<hbm>>)
      } else {
      }
    } else {
    }
    return
  }
}

</mosaic_0001>

<sc_bundles>
// kernel: kernel.3.cloned.1.call-start
scs
__scs_entry_jumppad:
0x0: {  	(pc) =	sbr.rel $0x88, $3  }
0x1: {  	(tag) =	ssettag $0x0;
	lr =	simm.s32 $0x1  }
0x2: {  	[smem:$0x3F9F] =	sst lr;
	_ =	strace $0xD0000000  }
0x3: {  	_ = 	snop  }
0x4: {  	_ = 	snop  }
0x5: {  	_ = 	snop  }
0x6: {  	_ = 	snop  }
0x7: {  	_ = 	snop  }
__scs_overlays_trampoline_lowered:
0x8: {  	[smem:$0x3FAE] =	sst s0  }
0x9: {  	[smem:$0x3FAF] =	sst s1  }
0xa: {  	[smem:$0x3FB0] =	sst s2  }
0xb: {  	[smem:$0x3FB1] =	sst s3  }
0xc: {  	[smem:$0x3FB2] =	sst s4  }
0xd: {  	[smem:$0x3FB3] =	sst s5  }
0xe: {  	[smem:$0x3FB4] =	sst s6  }
0xf: {  	[smem:$0x3FB5] =	sst s7  }
0x10: {  	[smem:$0x3FB6] =	sst s8  }
0x11: {  	[smem:$0x3FB7] =	sst s9;
	s0 =	simm.s32 @!p0 $0x0  }
0x12: {  	s1 =	sld [smem:$0x3F9D];
	s0 =	simm.s32 @p0 $0x1  }
0x13: {  	[smem:$0x3FB8] =	sst s0;
	s0 =	simm.s32 @!p1 $0x0  }
0x14: {  	s2 =	sld [smem:$0x3F9C];
	s0 =	simm.s32 @p1 $0x1  }
0x15: {  	[smem:$0x3FB9] =	sst s0;
	s0 =	simm.s32 @!p2 $0x0  }
0x16: {  	s3 =	sld [smem:$0x3FDB];
	s0 =	simm.s32 @p2 $0x1  }
0x17: {  	s4 =	simm.s32 $0x1BF5;
	[smem:$0x3FBB] =	sst s0  }
0x18: {  	s0 =	sld [smem:$0x3F9E];
	_ =	swait.ge [sflag:s4], $0x0  }
0x19: {  	s7 =	sld [smem:$0x3F9F]  }
0x1a: {  	s8 =	sadd.s32 $0xFFFFE003, lr  }
0x1b: {  	s9 =	sadd.s32 $0xFFFFFEF7, lr;
	s5 =	simm.s32 $0xFFFFFFFF;
	p2 =	slt.u32 s8, $0xFFFFF086  }
0x1c: {  	p1 =	slt.u32 s9, $0xF7A;
	s5 =	simm.s32 @!p2 $0x0  }
0x1d: {  	s5 =	simm.s32 @p1 $0x1;
	p0 =	seq.s32 s7, s2  }
0x1e: {  	s7 =	smul.u32 @!p0 $0xF7A, s2;
	p2 =	seq.s32 @!p0 s5, $0x0  }
0x1f: {  	s9 =	smul.u32 $0xF7A, s1;
	s8 =	simm.s32 @!p0 $0x1BF5;
	p2 =	por !p2, p0  }
0x20: {  	[sflag:s8] =	ssyncset.s32 @!p0 $0xFFFFF086;
	s6 =	sadd.s32 @!p0 s3, s7;
	s7 =	simm.s32 @!p0 $0x108  }
0x21: {  	s3 =	sadd.s32 s3, s9;
	s6 =	sadd.s32 @!p0 $0x88, s6;
	s7 =	simm.s32 @p2 $0x1082  }
0x22: {  	[simem:s7], [sflag:s8] =	dma.local @!p0 [hbm:s6], $0xF7A  }
0x23: {  	s9 =	sor.u32 $0xD0000000, s2;
	s6 =	simm.s32 $0x108;
	_ =	swait.ge @!p0 [sflag:s8], $0x0  }
0x24: {  	s3 =	sadd.s32 $0x88, s3;
	s6 =	simm.s32 @!p1 $0x1082;
	[sflag:s4] =	ssyncset.s32 $0xFFFFF086  }
0x25: {  	[simem:s6], [sflag:s4] =	dma.local [hbm:s3], $0xF7A  }
0x26: {  	[smem:$0x3F9F] =	sst s1;
	(tag) =	ssettag s2;
	_ =	strace s9  }
0x27: {  	s1 =	sld [smem:$0x3FAF]  }
0x28: {  	s2 =	sld [smem:$0x3FB0]  }
0x29: {  	s4 =	sld [smem:$0x3FB2]  }
0x2a: {  	p0 =	seq.s32 s5, $0x0;
	s5 =	sld [smem:$0x3FB3]  }
0x2b: {  	s6 =	sld [smem:$0x3FB4]  }
0x2c: {  	s7 =	sld [smem:$0x3FB5]  }
0x2d: {  	s3 =	simm.s32 $0x108;
	s8 =	sld [smem:$0x3FB6]  }
0x2e: {  	s3 =	simm.s32 @!p0 $0x1082;
	s9 =	sld [smem:$0x3FB7]  }
0x2f: {  	lr =	sadd.s32 s0, s3;
	s0 =	sld [smem:$0x3FAE]  }
0x30: {  	s3 =	sld [smem:$0x3FB1]  }
0x31: {  	[smem:$0x3FBA] =	sst s10  }
0x32: {  	s10 =	sld [smem:$0x3FB8];
	_ =	sdelay $0x3  }
0x33: {  	p0 =	seq.s32 s10, $0x1;
	s10 =	sld [smem:$0x3FBA];
	_ =	sdelay $0x3  }
0x34: {  	[smem:$0x3FBA] =	sst s10  }
0x35: {  	s10 =	sld [smem:$0x3FB9];
	_ =	sdelay $0x3  }
0x36: {  	p1 =	seq.s32 s10, $0x1;
	s10 =	sld [smem:$0x3FBA];
	_ =	sdelay $0x3  }
0x37: {  	[smem:$0x3FBA] =	sst s10  }
0x38: {  	s10 =	sld [smem:$0x3FBB]  }
0x39: {  	_ = 	snop;
	(pc) =	sbr.ind lr, $3  }
0x3a: {  	_ = 	snop  }
0x3b: {  	_ = 	snop  }
0x3c: {  	p2 =	seq.s32 s10, $0x1;
	s10 =	sld [smem:$0x3FBA]  }
0x3d: {  	_ =	shalt  }
0x3e: {  	_ =	shalt  }
0x3f: {  	_ =	shalt  }
0x40: {  	_ =	shalt  }
0x41: {  	_ =	shalt  }
0x42: {  	_ =	shalt  }
0x43: {  	_ =	shalt  }
0x44: {  	_ =	shalt  }
0x45: {  	_ =	shalt  }
0x46: {  	_ =	shalt  }
0x47: {  	_ =	shalt  }
0x48: {  	_ =	shalt  }
0x49: {  	_ =	shalt  }
0x4a: {  	_ =	shalt  }
0x4b: {  	_ =	shalt  }
0x4c: {  	_ =	shalt  }
0x4d: {  	_ =	shalt  }
0x4e: {  	_ =	shalt  }
0x4f: {  	_ =	shalt  }
0x50: {  	_ =	shalt  }
0x51: {  	_ =	shalt  }
0x52: {  	_ =	shalt  }
0x53: {  	_ =	shalt  }
0x54: {  	_ =	shalt  }
0x55: {  	_ =	shalt  }
0x56: {  	_ =	shalt  }
0x57: {  	_ =	shalt  }
0x58: {  	_ =	shalt  }
0x59: {  	_ =	shalt  }
0x5a: {  	_ =	shalt  }
0x5b: {  	_ =	shalt  }
0x5c: {  	_ =	shalt  }
0x5d: {  	_ =	shalt  }
0x5e: {  	_ =	shalt  }
0x5f: {  	_ =	shalt  }
0x60: {  	_ =	shalt  }
0x61: {  	_ =	shalt  }
0x62: {  	_ =	shalt  }
0x63: {  	_ =	shalt  }
0x64: {  	_ =	shalt  }
0x65: {  	_ =	shalt  }
0x66: {  	_ =	shalt  }
0x67: {  	_ =	shalt  }
0x68: {  	_ =	shalt  }
0x69: {  	_ =	shalt  }
0x6a: {  	_ =	shalt  }
0x6b: {  	_ =	shalt  }
0x6c: {  	_ =	shalt  }
0x6d: {  	_ =	shalt  }
0x6e: {  	_ =	shalt  }
0x6f: {  	_ =	shalt  }
0x70: {  	_ =	shalt  }
0x71: {  	_ =	shalt  }
0x72: {  	_ =	shalt  }
0x73: {  	_ =	shalt  }
0x74: {  	_ =	shalt  }
0x75: {  	_ =	shalt  }
0x76: {  	_ =	shalt  }
0x77: {  	_ =	shalt  }
0x78: {  	_ =	shalt  }
0x79: {  	_ =	shalt  }
0x7a: {  	_ =	shalt  }
0x7b: {  	_ =	shalt  }
0x7c: {  	_ =	shalt  }
0x7d: {  	_ =	shalt  }
0x7e: {  	_ =	shalt  }
0x7f: {  	_ =	shalt  }
0x80: {  	_ =	shalt  }
0x81: {  	_ =	shalt  }
0x82: {  	_ =	shalt  }
0x83: {  	_ =	shalt  }
0x84: {  	_ =	shalt  }
0x85: {  	_ =	shalt  }
0x86: {  	_ =	shalt  }
0x87: {  	_ =	shalt  }
.Lfunc_end0:
.L_simem_size_0:
called_computation_lowered:
.L_overlay_start_0:
0x88: {  	s2 =	sld [smem:$0x3FD9]  }
0x89: {  	s3 =	sld [smem:$0x3FFE];
	_ =	sdelay $0x1  }
0x8a: {  	s1 =	srdreg.scid  }
0x8b: {  	s0 =	sand.u32 $0x1, s1  }
0x8c: {  	s15 =	sshll.u32 s0, $0xA;
	s2 =	sadd.s32 s3, s2  }
0x8d: {  	s2 =	sadd.s32 s2, s15  }
0x8e: {  	[smem:$0x3FC6] =	sst s2  }
0x8f: {  	_ = 	snop  }
0x90: {  	s2 =	sld [smem:$0x3FD0];
	_ =	sdelay $0x1  }
0x91: {  	s16 =	sld [smem:$0x3FC9]  }
0x92: {  	s5 =	simm.s32 $0xA;
	s6 =	simm.s32 $0x10;
	s4 =	sld [smem:$0x3FC8]  }
0x93: {  	[smem:s6], [sflag:s5] =	dma.local [hbm:s2], $0x1  }
0x94: {  	_ =	swait.eq [sflag:s5], $0x1  }
0x95: {  	[sflag:s5] =	ssyncset.done $0x0  }
0x96: {  	[sflag:s5] =	ssyncadd.s32 $0xFFFFFFFF  }
0x97: {  	s17 =	sld [smem:$0x11];
	(tm) =	ssettm $0x1  }
0x98: {  	s18 =	sld [smem:$0x3FFB];
	_ =	sdelay $0x3  }
0x99: {  	_ =	strace s18  }
0x9a: {  	s5 =	sld [smem:$0x3FFC];
	_ =	sdelay $0x3  }
0x9b: {  	_ =	strace s5  }
0x9c: {  	s5 =	sld [smem:$0x3FFD];
	_ =	sdelay $0x3  }
0x9d: {  	_ =	strace s5  }
0x9e: {  	_ =	strace $0x8FFFFFFF  }
0x9f: {  	s19 =	sld [smem:$0x3FDB];
	_ =	sdelay $0x1  }
0xa0: {  	s20 =	simm.s32 $_scs_section_size  }
0xa1: {  	s7 =	simm.s32 $_size__tile_overlayer_lowered;
	s8 =	simm.s32 $_tile_overlayer_lowered  }
0xa2: {  	s23 =	simm.s32 $0x1BFF;
	s22 =	sshll.u32 s8, $0x1;
	s5 =	sadd.s32 s20, s19  }
0xa3: {  	s9 =	simm.s32 $0x0;
	s21 =	sshll.u32 s7, $0x1;
	s7 =	sadd.s32 s22, s5  }
0xa4: {  	[timem:s9], [sflag:s23] =	dma.local [hbm:s7], s21  }
0xa5: {  	_ =	swait.ge [sflag:s23], s21  }
0xa6: {  	s6 =	ssub.s32 $0x0, s21;
	[sflag:s23] =	ssyncset.done $0x0  }
0xa7: {  	[sflag:s23] =	ssyncadd.s32 s6;
	_ =	sdelay $0x1  }
0xa8: {  	s24 =	simm.s32 $0x1B8B  }
0xa9: {  	_ =	swait.ge [sflag:s24], $0x1  }
0xaa: {  	[sflag:s24] =	ssyncset.done $0x0  }
0xab: {  	s25 =	simm.s32 $0x1B8E;
	[sflag:s24] =	ssyncadd.s32 $0xFFFFFFFF  }
0xac: {  	s26 =	simm.s32 $execute0_lowered;
	[smem:$0x3FD2] =	sst s25  }
0xad: {  	s6 =	sshll.u32 s26, $0x1;
	_ =	strace $0x80000046;
	[dreg:$0x1] =	wrdreg $0xFFFFFFFF  }
0xae: {  	s28 =	simm.s32 $_size_execute0_lowered;
	s5 =	sadd.s32 s5, s6;
	[dreg:$0x0] =	wrdreg $0x0  }
0xaf: {  	s6 =	sshll.u32 s28, $0x1;
	[dreg:$0x2] =	wrdreg s5  }
0xb0: {  	[dreg:$0x3] =	wrdreg s6  }
0xb1: {  	[dreg:$0x4] =	wrdreg $0xC0  }
0xb2: {  	_ =	task [dreg:s9], $0x5FFFF  }
0xb3: {  	[dreg:$0x1] =	wrdreg $0xFFFFFFFF  }
0xb4: {  	[dreg:$0x0] =	wrdreg $0x60  }
0xb5: {  	[dreg:$0x2] =	wrdreg s4  }
0xb6: {  	[dreg:$0x3] =	wrdreg s16  }
0xb7: {  	[dreg:$0x4] =	wrdreg s17  }
0xb8: {  	[dreg:$0x5] =	wrdreg $0x100000  }
0xb9: {  	[dreg:$0x6] =	wrdreg $0x9  }
0xba: {  	_ =	task.clear_ibuf [dreg:s9], $0x7FFFF;
	_ =	strace $0x90000046  }
0xbb: {  	s29 =	simm.s32 $0x9;
	_ =	strace $0x80000048  }
0xbc: {  	_ =	swait.ge [sflag:s29], $0x1  }
0xbd: {  	[sflag:s29] =	ssyncadd.s32 $0xFFFFFFFF  }
0xbe: {  	_ =	strace $0x90000048  }
0xbf: {  	_ =	sfence  }
0xc0: {  	s30 =	sld [smem:$0x0];
	_ =	sdelay $0x2  }
0xc1: {  	s31 =	sshll.u32 s1, $0xD;
	s1 =	sshrl.u32 s1, $0x2  }
0xc2: {  	s3 =	sand.u32 $0x4000, s31;
	s1 =	sadd.s32 s1, s30  }
0xc3: {  	s0 =	sor.u32 s3, s0;
	s1 =	sshll.u32 s1, $0x11  }
0xc4: {  	s0 =	sor.u32 s1, s0  }
0xc5: {  	s0 =	sadd.s32 $0x8F2B, s0  }
0xc6: {  	[sflag:s0] =	ssyncadd.remote.s32 $0x1  }
0xc7: {  	_ =	sfence.sel $0xFFFF  }
0xc8: {  	[dreg:$0x0] =	wrdreg $0xFFFFFFFF;
	(pc) =	sbr.abs _section_cstart, $3  }
0xc9: {  	[dreg:$0x1] =	wrdreg $0xFFFFFFFF  }
0xca: {  	_ =	task.clear_ibuf [dreg:s9], $0x2FFFF;
	_ =	strace $0x9FFFFFFF  }
0xcb: {  	(tm) =	ssettm $0x7FFFFFFF  }
tec
execute0_lowered:
.L_overlay_start_1:
0x0: {  	(tag) =	ssettag $0x1  }
0x1: {  	s0 =	rddreg [dreg:$0x0]  }
0x2: {  	s2 =	rddreg [dreg:$0x1]  }
0x3: {  	s10 =	rddreg [dreg:$0x2]  }
0x4: {  	s3 =	rddreg [dreg:$0x3];
	s1 =	simm.s32 $0x0  }
0x5: {  	s4 =	srdreg.scid;
	s16 =	stileid.u32;
	s28 =	simm.s32 $0x2  }
0x6: {  	s29 =	simm.s32 $0x4;
	s30 =	simm.s32 $0x0;
	[smem:$0x7FF] =	sst s1  }
0x7: {  	s11 =	sand.u32 $0x1, s4;
	s13 =	sshll.u32 s16, $0x12;
	s5 =	sshll.u32 s16, $0x11  }
0x8: {  	p1 =	sgt.u32 s16, $0x7;
	_ =	strace $0x80000047;
	s4 =	ssub.s32 $0x2, s11  }
0x9: {  	s14 =	sshll.u32 s11, $0x16;
	s9 =	sadd.s32 s5, s3;
	s0 =	sadd.s32 s13, s0  }
0xa: {  	s7 =	sadd.s32 s10, s13;
	p0 =	sne.s32 s11, $0x0;
	s6 =	sshrl.u32 s4, $0x1  }
0xb: {  	s15 =	sor.u32 s13, s14;
	s3 =	sadd.s32 $0xFFF00000, s9;
	s18 =	sadd.s32 $0x400000, s0  }
0xc: {  	s19 =	sadd.s32 $0xFFF10000, s9;
	s22 =	sadd.s32 $0x401000, s0;
	[dreg:$0x6] =	wrdreg s18  }
0xd: {  	s25 =	sadd.s32 $0x3E000, s7;
	s26 =	sadd.s32 $0x3F000, s7;
	[dreg:$0x7] =	wrdreg s19  }
0xe: {  	s8 =	ssub.s32 s4, s6;
	s12 =	sadd.s32 s2, s15;
	[dreg:$0xa] =	wrdreg s22  }
0xf: {  	s5 =	sadd.s32 s10, s15;
	s10 =	sadd.s32 s14, s10;
	[dreg:$0xd] =	wrdreg s25  }
0x10: {  	s2 =	sadd.s32 s14, s2;
	[dreg:$0xe] =	wrdreg s26;
	s15 =	sadd.s32 $0x2000, s7  }
0x11: {  	s25 =	simm.s32 $0x1;
	s26 =	simm.s32 $0x8000;
	s17 =	sadd.s32 $0xFFC00000, s12  }
0x12: {  	s8 =	smax.u32 s8, $0x1;
	s20 =	sadd.s32 $0xFFC02000, s12;
	[dreg:$0x5] =	wrdreg s17  }
0x13: {  	s21 =	sadd.s32 $0xFFC01000, s12;
	s12 =	sadd.s32 $0x402000, s0;
	[dreg:$0x8] =	wrdreg s20  }
.Ltmp0:
0x14: {  	s23 =	sadd.s32 $0x3E000, s5;
	[dreg:$0x9] =	wrdreg s21;
	(pc) =	sbr.rel .LBB2_1-.Ltmp0, $4  }
0x15: {  	s24 =	sadd.s32 $0x3F000, s5;
	s10 =	sadd.s32 s13, s10;
	[dreg:$0xb] =	wrdreg s23  }
0x16: {  	s2 =	sadd.s32 s13, s2;
	[dreg:$0xc] =	wrdreg s24;
	s18 =	sadd.s32 $0x2000, s10  }
0x17: {  	s31 =	sadd.s32 $0xFFC04000, s2;
	s20 =	sadd.s32 $0x1000, s10;
	s21 =	sadd.s32 $0xFFC02000, s2  }
0x18: {  	s23 =	sadd.s32 $0x404000, s0;
	s24 =	sadd.s32 $0x1000, s7;
	[dreg:$0xf] =	wrdreg s31  }
.LBB2_15:
0x19: {  	[hbm:s22], [sflag:s17] =	dma.local [spmem:s2], $0x2000  }
0x1a: {  	_ =	swait.ge [sflag:s28], $0x2000  }
0x1b: {  	[sflag:s28] =	ssyncset.done $0x0  }
0x1c: {  	[sflag:s28] =	ssyncadd.s32 $0xFFFFE000  }
0x1d: {  	_ =	swait.ge [sflag:s16], $0x2000  }
0x1e: {  	[sflag:s16] =	ssyncset.done $0x0  }
0x1f: {  	s31 =	sor.u32 $0x1C04, s31;
	s4 =	rddreg [dreg:$0xb];
	[sflag:s16] =	ssyncadd.s32 $0xFFFFE000  }
0x20: {  	[hbm:s4], [sflag:s31] =	dma.local [spmem:s0], $0x2000  }
0x21: {  	_ =	swait.ge [sflag:s29], $0x2000  }
0x22: {  	[sflag:s29] =	ssyncset.done $0x0  }
0x23: {  	s26 =	simm.s32 $0x8000;
	[sflag:s29] =	ssyncadd.s32 $0xFFFFE000  }
.LBB2_16:
0x24: {  	s30 =	sadd.s32 $0x1, s30  }
0x25: {  	p2 =	sne.s32 s30, s8  }
.Ltmp1:
0x26: {  	_ = 	snop;
	(pc) =	sbr.rel @!p2 .LBB2_17-.Ltmp1, $1  }
0x27: {  	_ =	sdelay $0x3  }
.LBB2_1:
.Ltmp2:
0x28: {  	(pc) =	sbr.rel @p0 .LBB2_9-.Ltmp2, $1  }
0x29: {  	_ =	sdelay $0x3  }
.Ltmp3:
0x2a: {  	(pc) =	sbr.rel @p1 .LBB2_6-.Ltmp3, $1  }
0x2b: {  	_ =	sdelay $0x3  }
0x2c: {  	s0 =	rddreg [dreg:$0x6]  }
0x2d: {  	[tilespmem:s1], [sflag:$0x1] =	stream.linear.gather [hbm4b:s0+s1], $0x8000, $0x38;
	v63 =	vld [tilespmem:$0x0]  }
0x2e: {  	_ =	swait.ge [sflag:s25], $0x8000  }
0x2f: {  	s17 =	simm.s32 $0x1;
	[sflag:s25] =	ssyncset.done $0x0  }
0x30: {  	s0 =	sand.u32 $0x1, s17;
	s16 =	rddreg [dreg:$0xa];
	[sflag:s25] =	ssyncadd.s32 $0xFFFF8000  }
0x31: {  	[tilespmem:s26], [sflag:$0x2] =	stream.linear.gather [hbm4b:s16+s1], $0x8000, $0x38;
	v63 =	vld [tilespmem:$0x0]  }
0x32: {  	s2 =	sadd.s32 $0x1, s0  }
0x33: {  	[hbm4b:s7+s1] =	stream.linear.scatter [tilespmem:s1], [sflag:$0x3], $0x8000, $0x38;
	v63 =	vld [tilespmem:$0x0]  }
0x34: {  	s10 =	simm.s32 $0x2;
	_ =	swait.ge [sflag:s2], $0x8000  }
0x35: {  	s10 =	sand.u32 $0x1, s10;
	[sflag:s2] =	ssyncset.done $0x0  }
0x36: {  	s31 =	simm.s32 $0x2;
	s19 =	sadd.s32 $0x3, s10;
	[sflag:s2] =	ssyncadd.s32 $0xFFFF8000  }
0x37: {  	s13 =	smov.u32 s24;
	s11 =	sadd.s32 $0x1, s10;
	_ =	swait.ge [sflag:s19], $0x8000  }
0x38: {  	s22 =	sshll.u32 s10, $0xF;
	s14 =	sshll.u32 s0, $0xF;
	[sflag:s19] =	ssyncset.done $0x0  }
0x39: {  	s10 =	smov.u32 s24;
	s16 =	sadd.s32 $0x3, s0;
	[sflag:s19] =	ssyncadd.s32 $0xFFFF8000  }
0x3a: {  	[tilespmem:s22], [sflag:s11] =	stream.linear.gather [hbm4b:s12+s1], $0x8000, $0x38;
	v63 =	vld [tilespmem:$0x0]  }
0x3b: {  	s0 =	sadd.s32 $0x1000, s12;
	s11 =	simm.s32 $0x3;
	s22 =	simm.s32 $0x4  }
.LBB2_4:
0x3c: {  	s2 =	sand.u32 $0x1, s31;
	s10 =	sadd.s32 $0x1000, s10;
	s17 =	smov.u32 s22  }
0x3d: {  	s4 =	sadd.s32 $0x1, s22;
	s6 =	smov.u32 s0;
	p2 =	sne.s32 s22, $0x3F  }
0x3e: {  	s31 =	sadd.s32 $0x1, s2;
	s9 =	sshll.u32 s2, $0xF;
	s2 =	sadd.s32 $0x3, s2  }
0x3f: {  	[hbm4b:s13+s1] =	stream.linear.scatter [tilespmem:s14], [sflag:s16], $0x8000, $0x38;
	v63 =	vld [tilespmem:$0x0]  }
0x40: {  	s22 =	sand.u32 $0x1, s11;
	s13 =	smov.u32 s10;
	_ =	swait.ge [sflag:s31], $0x8000  }
0x41: {  	s0 =	sadd.s32 $0x1000, s0;
	s11 =	smov.u32 s17;
	[sflag:s31] =	ssyncset.done $0x0  }
.Ltmp4:
0x42: {  	s17 =	sadd.s32 $0x3, s22;
	[sflag:s31] =	ssyncadd.s32 $0xFFFF8000;
	(pc) =	sbr.rel @p2 .LBB2_4-.Ltmp4, $4  }
0x43: {  	s14 =	smov.u32 s9;
	s16 =	smov.u32 s2;
	_ =	swait.ge [sflag:s17], $0x8000  }
0x44: {  	s2 =	sadd.s32 $0x1, s22;
	s9 =	sshll.u32 s22, $0xF;
	[sflag:s17] =	ssyncset.done $0x0  }
0x45: {  	s22 =	smov.u32 s4;
	s31 =	sadd.s32 $0xFFFFFFFF, s11;
	[sflag:s17] =	ssyncadd.s32 $0xFFFF8000  }
0x46: {  	[tilespmem:s9], [sflag:s2] =	stream.linear.gather [hbm4b:s6+s1], $0x8000, $0x38;
	v63 =	vld [tilespmem:$0x0]  }
0x47: {  	s2 =	sand.u32 $0x1, s31  }
0x48: {  	[hbm4b:s13+s1] =	stream.linear.scatter [tilespmem:s14], [sflag:s16], $0x8000, $0x38;
	v63 =	vld [tilespmem:$0x0]  }
0x49: {  	s4 =	sadd.s32 $0x1, s2  }
0x4a: {  	_ =	swait.ge [sflag:s4], $0x8000  }
0x4b: {  	s6 =	sand.u32 $0x1, s11;
	[sflag:s4] =	ssyncset.done $0x0  }
0x4c: {  	s16 =	sadd.s32 $0x3, s6;
	[sflag:s4] =	ssyncadd.s32 $0xFFFF8000  }
0x4d: {  	_ =	swait.ge [sflag:s16], $0x8000  }
0x4e: {  	[sflag:s16] =	ssyncset.done $0x0  }
0x4f: {  	s9 =	sadd.s32 $0x1, s6;
	s17 =	sshll.u32 s6, $0xF;
	[sflag:s16] =	ssyncadd.s32 $0xFFFF8000  }
0x50: {  	[tilespmem:s17], [sflag:s9] =	stream.linear.gather [hbm4b:s0+s1], $0x8000, $0x38;
	v63 =	vld [tilespmem:$0x0]  }
0x51: {  	s19 =	sadd.s32 $0x1000, s10;
	s22 =	sshll.u32 s2, $0xF;
	s2 =	sadd.s32 $0x3, s2  }
0x52: {  	[hbm4b:s19+s1] =	stream.linear.scatter [tilespmem:s22], [sflag:s2], $0x8000, $0x38;
	v63 =	vld [tilespmem:$0x0]  }
0x53: {  	_ =	swait.ge [sflag:s28], $0x8000  }
0x54: {  	[sflag:s28] =	ssyncset.done $0x0  }
0x55: {  	[sflag:s28] =	ssyncadd.s32 $0xFFFF8000  }
0x56: {  	_ =	swait.ge [sflag:s2], $0x8000  }
0x57: {  	[sflag:s2] =	ssyncset.done $0x0  }
.Ltmp5:
0x58: {  	s31 =	rddreg [dreg:$0xe];
	[sflag:s2] =	ssyncadd.s32 $0xFFFF8000;
	(pc) =	sbr.rel .LBB2_16-.Ltmp5, $4  }
0x59: {  	[hbm4b:s31+s1] =	stream.linear.scatter [tilespmem:s26], [sflag:$0x4], $0x8000, $0x38;
	v63 =	vld [tilespmem:$0x0]  }
0x5a: {  	_ =	swait.ge [sflag:s29], $0x8000  }
0x5b: {  	[sflag:s29] =	ssyncset.done $0x0  }
0x5c: {  	[sflag:s29] =	ssyncadd.s32 $0xFFFF8000  }
.LBB2_9:
.Ltmp6:
0x5d: {  	(pc) =	sbr.rel @p1 .LBB2_13-.Ltmp6, $1  }
0x5e: {  	_ =	sdelay $0x3  }
0x5f: {  	s0 =	rddreg [dreg:$0x5]  }
0x60: {  	[tilespmem:s1], [sflag:$0x1] =	stream.linear.gather [hbm4b:s0+s1], $0x8000, $0x38;
	v63 =	vld [tilespmem:$0x0]  }
0x61: {  	_ =	swait.ge [sflag:s25], $0x8000  }
0x62: {  	s17 =	simm.s32 $0x1;
	[sflag:s25] =	ssyncset.done $0x0  }
0x63: {  	s0 =	sand.u32 $0x1, s17;
	s16 =	rddreg [dreg:$0x9];
	[sflag:s25] =	ssyncadd.s32 $0xFFFF8000  }
0x64: {  	[tilespmem:s26], [sflag:$0x2] =	stream.linear.gather [hbm4b:s16+s1], $0x8000, $0x38;
	v63 =	vld [tilespmem:$0x0]  }
0x65: {  	s2 =	sadd.s32 $0x1, s0  }
0x66: {  	[hbm4b:s5+s1] =	stream.linear.scatter [tilespmem:s1], [sflag:$0x3], $0x8000, $0x38;
	v63 =	vld [tilespmem:$0x0]  }
0x67: {  	s4 =	simm.s32 $0x2;
	_ =	swait.ge [sflag:s2], $0x8000  }
0x68: {  	s4 =	sand.u32 $0x1, s4;
	[sflag:s2] =	ssyncset.done $0x0  }
0x69: {  	s11 =	simm.s32 $0x3;
	s19 =	sadd.s32 $0x3, s4;
	[sflag:s2] =	ssyncadd.s32 $0xFFFF8000  }
0x6a: {  	s31 =	simm.s32 $0x2;
	s10 =	smov.u32 s20;
	_ =	swait.ge [sflag:s19], $0x8000  }
0x6b: {  	s13 =	smov.u32 s20;
	s6 =	sadd.s32 $0x1, s4;
	[sflag:s19] =	ssyncset.done $0x0  }
0x6c: {  	s22 =	sshll.u32 s4, $0xF;
	s14 =	sshll.u32 s0, $0xF;
	[sflag:s19] =	ssyncadd.s32 $0xFFFF8000  }
0x6d: {  	[tilespmem:s22], [sflag:s6] =	stream.linear.gather [hbm4b:s21+s1], $0x8000, $0x38;
	v63 =	vld [tilespmem:$0x0]  }
0x6e: {  	s16 =	sadd.s32 $0x3, s0;
	s0 =	sadd.s32 $0x1000, s21;
	s22 =	simm.s32 $0x4  }
.LBB2_11:
0x6f: {  	s2 =	sand.u32 $0x1, s31;
	s10 =	sadd.s32 $0x1000, s10;
	s4 =	smov.u32 s22  }
0x70: {  	s6 =	sadd.s32 $0x1, s22;
	s9 =	smov.u32 s0;
	p2 =	sne.s32 s22, $0x3F  }
0x71: {  	s17 =	sadd.s32 $0x1, s2;
	s19 =	sshll.u32 s2, $0xF;
	s2 =	sadd.s32 $0x3, s2  }
0x72: {  	[hbm4b:s13+s1] =	stream.linear.scatter [tilespmem:s14], [sflag:s16], $0x8000, $0x38;
	v63 =	vld [tilespmem:$0x0]  }
0x73: {  	s22 =	sand.u32 $0x1, s11;
	s13 =	smov.u32 s10;
	_ =	swait.ge [sflag:s17], $0x8000  }
0x74: {  	s0 =	sadd.s32 $0x1000, s0;
	s11 =	smov.u32 s4;
	[sflag:s17] =	ssyncset.done $0x0  }
.Ltmp7:
0x75: {  	s4 =	sadd.s32 $0x3, s22;
	[sflag:s17] =	ssyncadd.s32 $0xFFFF8000;
	(pc) =	sbr.rel @p2 .LBB2_11-.Ltmp7, $4  }
0x76: {  	s14 =	smov.u32 s19;
	s16 =	smov.u32 s2;
	_ =	swait.ge [sflag:s4], $0x8000  }
0x77: {  	s2 =	sadd.s32 $0x1, s22;
	s31 =	sadd.s32 $0xFFFFFFFF, s11;
	[sflag:s4] =	ssyncset.done $0x0  }
0x78: {  	[sflag:s4] =	ssyncadd.s32 $0xFFFF8000;
	s4 =	sshll.u32 s22, $0xF;
	s22 =	smov.u32 s6  }
0x79: {  	[tilespmem:s4], [sflag:s2] =	stream.linear.gather [hbm4b:s9+s1], $0x8000, $0x38;
	v63 =	vld [tilespmem:$0x0]  }
0x7a: {  	s2 =	sand.u32 $0x1, s31  }
0x7b: {  	[hbm4b:s13+s1] =	stream.linear.scatter [tilespmem:s14], [sflag:s16], $0x8000, $0x38;
	v63 =	vld [tilespmem:$0x0]  }
0x7c: {  	s4 =	sadd.s32 $0x1, s2  }
0x7d: {  	_ =	swait.ge [sflag:s4], $0x8000  }
0x7e: {  	s6 =	sand.u32 $0x1, s11;
	[sflag:s4] =	ssyncset.done $0x0  }
0x7f: {  	s16 =	sadd.s32 $0x3, s6;
	[sflag:s4] =	ssyncadd.s32 $0xFFFF8000  }
0x80: {  	_ =	swait.ge [sflag:s16], $0x8000  }
0x81: {  	[sflag:s16] =	ssyncset.done $0x0  }
0x82: {  	s9 =	sadd.s32 $0x1, s6;
	s17 =	sshll.u32 s6, $0xF;
	[sflag:s16] =	ssyncadd.s32 $0xFFFF8000  }
0x83: {  	[tilespmem:s17], [sflag:s9] =	stream.linear.gather [hbm4b:s0+s1], $0x8000, $0x38;
	v63 =	vld [tilespmem:$0x0]  }
0x84: {  	s19 =	sadd.s32 $0x1000, s10;
	s22 =	sshll.u32 s2, $0xF;
	s2 =	sadd.s32 $0x3, s2  }
0x85: {  	[hbm4b:s19+s1] =	stream.linear.scatter [tilespmem:s22], [sflag:s2], $0x8000, $0x38;
	v63 =	vld [tilespmem:$0x0]  }
0x86: {  	_ =	swait.ge [sflag:s28], $0x8000  }
0x87: {  	[sflag:s28] =	ssyncset.done $0x0  }
0x88: {  	[sflag:s28] =	ssyncadd.s32 $0xFFFF8000  }
0x89: {  	_ =	swait.ge [sflag:s2], $0x8000  }
0x8a: {  	[sflag:s2] =	ssyncset.done $0x0  }
.Ltmp8:
0x8b: {  	s31 =	rddreg [dreg:$0xc];
	[sflag:s2] =	ssyncadd.s32 $0xFFFF8000;
	(pc) =	sbr.rel .LBB2_16-.Ltmp8, $4  }
0x8c: {  	[hbm4b:s31+s1] =	stream.linear.scatter [tilespmem:s26], [sflag:$0x4], $0x8000, $0x38;
	v63 =	vld [tilespmem:$0x0]  }
0x8d: {  	_ =	swait.ge [sflag:s29], $0x8000  }
0x8e: {  	[sflag:s29] =	ssyncset.done $0x0  }
0x8f: {  	[sflag:s29] =	ssyncadd.s32 $0xFFFF8000  }
.LBB2_6:
0x90: {  	s0 =	stileid.u32  }
0x91: {  	s31 =	sshll.u32 s0, $0x6  }
0x92: {  	s2 =	sshrl.u32 s3, $0x3;
	s4 =	rddreg [dreg:$0x6];
	s0 =	sor.u32 $0x1C01, s31  }
0x93: {  	[spmem:s2], [sflag:s0] =	dma.local [hbm:s4], $0x2000  }
0x94: {  	s17 =	simm.s32 $0x1;
	_ =	swait.ge [sflag:s25], $0x2000  }
0x95: {  	s13 =	sor.u32 $0x1C02, s31;
	[sflag:s25] =	ssyncset.done $0x0;
	s14 =	rddreg [dreg:$0x7]  }
0x96: {  	s16 =	sor.u32 $0x1C03, s31;
	[sflag:s25] =	ssyncadd.s32 $0xFFFFE000;
	s0 =	sshrl.u32 s14, $0x3  }
0x97: {  	[spmem:s0], [sflag:s13] =	dma.local [hbm:s12], $0x2000  }
0x98: {  	[hbm:s7], [sflag:s16] =	dma.local [spmem:s2], $0x2000  }
0x99: {  	s6 =	simm.s32 $0x2;
	s2 =	sand.u32 $0x1, s17  }
0x9a: {  	s10 =	simm.s32 $0x3;
	s6 =	sand.u32 $0x1, s6;
	s19 =	sadd.s32 $0x1, s2  }
0x9b: {  	s22 =	sadd.s32 $0x3, s6;
	s11 =	sor.u32 $0x1C00, s31;
	_ =	swait.ge [sflag:s19], $0x2000  }
0x9c: {  	s14 =	sadd.s32 $0x2000, s15;
	s13 =	sshll.u32 s6, $0x10;
	[sflag:s19] =	ssyncset.done $0x0  }
0x9d: {  	s6 =	sor.u32 s11, s6;
	s13 =	sadd.s32 s13, s3;
	[sflag:s19] =	ssyncadd.s32 $0xFFFFE000  }
0x9e: {  	s6 =	sadd.s32 $0x1, s6;
	s9 =	sshll.u32 s2, $0x10;
	_ =	swait.ge [sflag:s22], $0x2000  }
0x9f: {  	s13 =	sshrl.u32 s13, $0x3;
	s2 =	sadd.s32 $0x3, s2;
	[sflag:s22] =	ssyncset.done $0x0  }
0xa0: {  	s26 =	sadd.s32 s9, s3;
	s17 =	sor.u32 s11, s2;
	[sflag:s22] =	ssyncadd.s32 $0xFFFFE000  }
0xa1: {  	[spmem:s13], [sflag:s6] =	dma.local [hbm:s23], $0x2000  }
0xa2: {  	s2 =	sshrl.u32 s26, $0x3;
	s22 =	smov.u32 s15;
	s13 =	sadd.s32 $0x2000, s23  }
.LBB2_7:
0xa3: {  	[hbm:s22], [sflag:s17] =	dma.local [spmem:s2], $0x2000  }
0xa4: {  	p2 =	sne.s32 s10, $0x1F;
	s2 =	smov.u32 s10;
	s10 =	sadd.s32 $0x1, s10  }
0xa5: {  	s4 =	smov.u32 s13;
	s22 =	smov.u32 s14  }
0xa6: {  	s6 =	sadd.s32 $0xFFFFFFFF, s2  }
0xa7: {  	s13 =	sadd.s32 $0x2000, s13;
	s14 =	sadd.s32 $0x2000, s14;
	s6 =	sand.u32 $0x1, s6  }
0xa8: {  	s9 =	sadd.s32 $0x1, s6;
	s17 =	sshll.u32 s6, $0x10;
	s16 =	sadd.s32 $0x3, s6  }
0xa9: {  	s2 =	sand.u32 $0x1, s2;
	s6 =	sadd.s32 s17, s3;
	_ =	swait.ge [sflag:s9], $0x2000  }
0xaa: {  	s17 =	sshll.u32 s2, $0x10;
	[sflag:s9] =	ssyncset.done $0x0  }
.Ltmp9:
0xab: {  	[sflag:s9] =	ssyncadd.s32 $0xFFFFE000;
	s9 =	sadd.s32 $0x3, s2;
	(pc) =	sbr.rel @p2 .LBB2_7-.Ltmp9, $4  }
0xac: {  	s17 =	sadd.s32 s17, s3;
	s2 =	sor.u32 s11, s2;
	_ =	swait.ge [sflag:s9], $0x2000  }
0xad: {  	s19 =	sshrl.u32 s17, $0x3;
	s26 =	sadd.s32 $0x1, s2;
	[sflag:s9] =	ssyncset.done $0x0  }
0xae: {  	s17 =	sor.u32 s11, s16;
	s2 =	sshrl.u32 s6, $0x3;
	[sflag:s9] =	ssyncadd.s32 $0xFFFFE000  }
0xaf: {  	[spmem:s19], [sflag:s26] =	dma.local [hbm:s4], $0x2000  }
0xb0: {  	[hbm:s22], [sflag:s17] =	dma.local [spmem:s2], $0x2000  }
0xb1: {  	_ =	swait.ge [sflag:s28], $0x2000  }
0xb2: {  	[sflag:s28] =	ssyncset.done $0x0  }
0xb3: {  	[sflag:s28] =	ssyncadd.s32 $0xFFFFE000  }
0xb4: {  	_ =	swait.ge [sflag:s16], $0x2000  }
0xb5: {  	s31 =	sor.u32 $0x1C04, s31;
	[sflag:s16] =	ssyncset.done $0x0  }
.Ltmp10:
0xb6: {  	s4 =	rddreg [dreg:$0xd];
	[sflag:s16] =	ssyncadd.s32 $0xFFFFE000;
	(pc) =	sbr.rel .LBB2_16-.Ltmp10, $4  }
0xb7: {  	[hbm:s4], [sflag:s31] =	dma.local [spmem:s0], $0x2000  }
0xb8: {  	_ =	swait.ge [sflag:s29], $0x2000  }
0xb9: {  	[sflag:s29] =	ssyncset.done $0x0  }
0xba: {  	s26 =	simm.s32 $0x8000;
	[sflag:s29] =	ssyncadd.s32 $0xFFFFE000  }
.LBB2_13:
0xbb: {  	s0 =	stileid.u32  }
0xbc: {  	s31 =	sshll.u32 s0, $0x6  }
0xbd: {  	s2 =	sshrl.u32 s3, $0x3;
	s4 =	rddreg [dreg:$0x5];
	s0 =	sor.u32 $0x1C01, s31  }
0xbe: {  	[spmem:s2], [sflag:s0] =	dma.local [hbm:s4], $0x2000  }
0xbf: {  	s14 =	simm.s32 $0x1;
	s10 =	sor.u32 $0x1C02, s31;
	_ =	swait.ge [sflag:s25], $0x2000  }
0xc0: {  	s13 =	sor.u32 $0x1C03, s31;
	[sflag:s25] =	ssyncset.done $0x0;
	s11 =	rddreg [dreg:$0x7]  }
0xc1: {  	s6 =	rddreg [dreg:$0x8];
	[sflag:s25] =	ssyncadd.s32 $0xFFFFE000;
	s0 =	sshrl.u32 s11, $0x3  }
0xc2: {  	[spmem:s0], [sflag:s10] =	dma.local [hbm:s6], $0x2000  }
0xc3: {  	[hbm:s5], [sflag:s13] =	dma.local [spmem:s2], $0x2000  }
0xc4: {  	s17 =	simm.s32 $0x2;
	s11 =	sor.u32 $0x1C00, s31;
	s2 =	sand.u32 $0x1, s14  }
0xc5: {  	s10 =	simm.s32 $0x3;
	s6 =	sand.u32 $0x1, s17;
	s16 =	sadd.s32 $0x1, s2  }
0xc6: {  	s19 =	sadd.s32 $0x3, s6;
	s13 =	sshll.u32 s6, $0x10;
	_ =	swait.ge [sflag:s16], $0x2000  }
0xc7: {  	s6 =	sor.u32 s11, s6;
	s14 =	sadd.s32 $0x2000, s18;
	[sflag:s16] =	ssyncset.done $0x0  }
0xc8: {  	s9 =	sshll.u32 s2, $0x10;
	s13 =	sadd.s32 s13, s3;
	[sflag:s16] =	ssyncadd.s32 $0xFFFFE000  }
0xc9: {  	s6 =	sadd.s32 $0x1, s6;
	s2 =	sadd.s32 $0x3, s2;
	_ =	swait.ge [sflag:s19], $0x2000  }
0xca: {  	s13 =	sshrl.u32 s13, $0x3;
	s26 =	sadd.s32 s9, s3;
	[sflag:s19] =	ssyncset.done $0x0  }
0xcb: {  	s17 =	sor.u32 s11, s2;
	s22 =	rddreg [dreg:$0xf];
	[sflag:s19] =	ssyncadd.s32 $0xFFFFE000  }
0xcc: {  	[spmem:s13], [sflag:s6] =	dma.local [hbm:s22], $0x2000  }
0xcd: {  	s2 =	sshrl.u32 s26, $0x3;
	s13 =	sadd.s32 $0x2000, s22;
	s22 =	smov.u32 s18  }
.LBB2_14:
0xce: {  	[hbm:s22], [sflag:s17] =	dma.local [spmem:s2], $0x2000  }
0xcf: {  	p2 =	sne.s32 s10, $0x1F;
	s2 =	smov.u32 s10;
	s10 =	sadd.s32 $0x1, s10  }
0xd0: {  	s4 =	smov.u32 s13;
	s22 =	smov.u32 s14  }
0xd1: {  	s6 =	sadd.s32 $0xFFFFFFFF, s2  }
0xd2: {  	s13 =	sadd.s32 $0x2000, s13;
	s14 =	sadd.s32 $0x2000, s14;
	s6 =	sand.u32 $0x1, s6  }
0xd3: {  	s9 =	sadd.s32 $0x1, s6;
	s17 =	sshll.u32 s6, $0x10;
	s16 =	sadd.s32 $0x3, s6  }
0xd4: {  	s2 =	sand.u32 $0x1, s2;
	s6 =	sadd.s32 s17, s3;
	_ =	swait.ge [sflag:s9], $0x2000  }
0xd5: {  	s17 =	sshll.u32 s2, $0x10;
	[sflag:s9] =	ssyncset.done $0x0  }
.Ltmp11:
0xd6: {  	[sflag:s9] =	ssyncadd.s32 $0xFFFFE000;
	s9 =	sadd.s32 $0x3, s2;
	(pc) =	sbr.rel @p2 .LBB2_14-.Ltmp11, $4  }
0xd7: {  	s17 =	sadd.s32 s17, s3;
	s2 =	sor.u32 s11, s2;
	_ =	swait.ge [sflag:s9], $0x2000  }
0xd8: {  	s26 =	sshrl.u32 s17, $0x3;
	s19 =	sadd.s32 $0x1, s2;
	[sflag:s9] =	ssyncset.done $0x0  }
0xd9: {  	s17 =	sor.u32 s11, s16;
	s2 =	sshrl.u32 s6, $0x3;
	[sflag:s9] =	ssyncadd.s32 $0xFFFFE000  }
0xda: {  	[spmem:s26], [sflag:s19] =	dma.local [hbm:s4], $0x2000  }
.Ltmp12:
0xdb: {  	_ = 	snop;
	(pc) =	sbr.rel .LBB2_15-.Ltmp12, $1  }
0xdc: {  	_ =	sdelay $0x3  }
.LBB2_17:
0xdd: {  	_ =	sfence.sel $0x180000  }
0xde: {  	[bflag:$0x0] =	sbarrier.arrive $0xFFFF  }
0xdf: {  	_ =	strace $0x90000047  }
0xe0: {  	s0 =	stileid.u32;
	[bflag:$0x2] =	sbarrier.arrive $0xFFFF  }
0xe1: {  	p0 =	sne.s32 s0, $0x0;
	s0 =	rddreg [dreg:$0x4]  }
0xe2: {  	s0 =	sadd.s32 @!p0 $0x100000, s0  }
0xe3: {  	[sflag:s0] =	ssyncadd.tile.s32 @!p0 $0x1;
	_ =	shalt  }
.Lfunc_end2:
_tile_overlayer_lowered:
.L_overlay_start_2:
0xe4: {  	(tag) =	ssettag $0x2  }
0xe5: {  	s0 =	rddreg [dreg:$0x0];
	s2 =	stileid.u32  }
0xe6: {  	s1 =	rddreg [dreg:$0x1];
	p0 =	sne.s32 s2, $0x0  }
0xe7: {  	s3 =	rddreg [dreg:$0x2];
	[bflag:$0x3] =	sbarrier.arrive $0xFFFF;
	s2 =	simm.s32 @!p0 $0x1C05  }
0xe8: {  	[timem:s3], [sflag:s2] =	dma.local @!p0 [hbm:s0], s1  }
0xe9: {  	s0 =	simm.s32 @!p0 $0x5  }
0xea: {  	_ =	swait.ge @!p0 [sflag:s0], s1  }
0xeb: {  	s1 =	ssub.s32 @!p0 $0x0, s1;
	[sflag:s0] =	ssyncset.done @!p0 $0x0  }
0xec: {  	[sflag:s0] =	ssyncadd.s32 @!p0 s1  }
0xed: {  	[bflag:$0x3] =	sbarrier.arrive $0xFFFF  }
0xee: {  	_ =	shalt  }

</sc_bundles>
